<compile_context>
chip_gen: v7x
topology: tpu7x:2x2x1
jax: 0.10.2.dev20260603
libtpu: 0.0.44.dev20260713+nightly
codegen_flags: <defaults>
</compile_context>

<pallas_src>
import functools

import jax
import jax.numpy as jnp
from jax import lax
from jax.experimental import pallas as pl
from jax.experimental.pallas import tpu as pltpu
from jax.experimental.pallas import tpu_sc as plsc

N_NODES = 10000
N_EDGES = 320000
D = 128

NC = 2
NS = 16
NW = NC * NS

EDGES_PER_TILE = N_EDGES // NW
CHUNK = 80
N_CHUNKS = EDGES_PER_TILE // CHUNK

ROW_CHUNK = 80
N_ROW_CHUNKS = N_NODES // ROW_CHUNK
ROW_CHUNKS_PER_TILE = -(-N_ROW_CHUNKS // NS)

ROW_BLK = 1000
N_BLK = N_NODES // ROW_BLK



def _mm_body(x_ref, w1_ref, w2_ref, y_ref):
    h = jax.lax.dot_general(x_ref[...], w1_ref[...], (((1,), (1,)), ((), ())),
                            precision=lax.Precision.HIGHEST,
                            preferred_element_type=jnp.float32)
    y_ref[...] = jax.lax.dot_general(h, w2_ref[...], (((1,), (1,)), ((), ())),
                                     precision=lax.Precision.HIGHEST,
                                     preferred_element_type=jnp.float32)


def _combine_body(p_ref, bias_ref, w2_ref, b2_ref, out_ref):
    c = jax.lax.dot_general(bias_ref[...], w2_ref[...], (((1,), (1,)), ((), ())),
                            precision=lax.Precision.HIGHEST,
                            preferred_element_type=jnp.float32) + b2_ref[...]
    out_ref[...] = p_ref[0] + p_ref[1] + c



def _sc_body(src_hbm, dst_hbm, y_hbm, out_hbm, acc, idx_s, idx_d, rows, buf,
             sem_g, sem_i, sem_s):
    cc = lax.axis_index("c")
    ss = lax.axis_index("s")
    wid = cc * NS + ss

    def zero_row(i, _):
        for j in range(D // 16):
            buf[i, pl.ds(j * 16, 16)] = jnp.zeros((16,), jnp.float32)
        return _
    lax.fori_loop(0, ROW_CHUNK, zero_row, None)
    for k in range(ROW_CHUNKS_PER_TILE):
        cid = ss * ROW_CHUNKS_PER_TILE + k

        @pl.when(cid < N_ROW_CHUNKS)
        def _():
            r0 = pl.multiple_of(cid * ROW_CHUNK, ROW_CHUNK)
            pltpu.sync_copy(buf, acc.at[pl.ds(r0, ROW_CHUNK), :])
    plsc.subcore_barrier()

    base_e = wid * EDGES_PER_TILE
    pltpu.sync_copy(src_hbm.at[pl.ds(pl.multiple_of(base_e, CHUNK), CHUNK)],
                    idx_s.at[0])
    pltpu.sync_copy(dst_hbm.at[pl.ds(pl.multiple_of(base_e, CHUNK), CHUNK)],
                    idx_d.at[0])

    def edge_chunk(t, _):
        p = lax.rem(t, 2)
        pn = 1 - p

        @pl.when(t >= 1)
        def _():
            pltpu.make_async_copy(y_hbm.at[pl.ds(0, CHUNK)], rows.at[pn],
                                  sem_s).wait()
        g = pltpu.async_copy(y_hbm.at[idx_s.at[p]], rows.at[p], sem_g)

        @pl.when(t < N_CHUNKS - 1)
        def _():
            e1 = pl.multiple_of(base_e + (t + 1) * CHUNK, CHUNK)
            pltpu.async_copy(src_hbm.at[pl.ds(e1, CHUNK)],
                             idx_s.at[pn], sem_i)
            pltpu.async_copy(dst_hbm.at[pl.ds(e1, CHUNK)],
                             idx_d.at[pn], sem_i)
        g.wait()
        pltpu.async_copy(rows.at[p], acc.at[idx_d.at[p]], sem_s, add=True)

        @pl.when(t < N_CHUNKS - 1)
        def _():
            e1 = pl.multiple_of(base_e + (t + 1) * CHUNK, CHUNK)
            pltpu.make_async_copy(src_hbm.at[pl.ds(e1, CHUNK)],
                                  idx_s.at[pn], sem_i).wait()
            pltpu.make_async_copy(dst_hbm.at[pl.ds(e1, CHUNK)],
                                  idx_d.at[pn], sem_i).wait()
        return _
    lax.fori_loop(0, N_CHUNKS, edge_chunk, None)
    pltpu.make_async_copy(y_hbm.at[pl.ds(0, CHUNK)], rows.at[0],
                          sem_s).wait()
    plsc.subcore_barrier()

    for k in range(ROW_CHUNKS_PER_TILE):
        cid = ss * ROW_CHUNKS_PER_TILE + k

        @pl.when(cid < N_ROW_CHUNKS)
        def _():
            r0 = pl.multiple_of(cid * ROW_CHUNK, ROW_CHUNK)
            pltpu.sync_copy(acc.at[pl.ds(r0, ROW_CHUNK), :], buf)
            pltpu.sync_copy(buf, out_hbm.at[cc, pl.ds(r0, ROW_CHUNK), :])


def _sc_propagate(src, dst, y):
    mesh = plsc.VectorSubcoreMesh(core_axis_name="c", subcore_axis_name="s",
                                  num_cores=NC, num_subcores=NS)
    f = pl.kernel(
        _sc_body,
        out_type=jax.ShapeDtypeStruct((NC, N_NODES, D), jnp.float32),
        mesh=mesh,
        scratch_types=[
            pltpu.VMEM_SHARED((N_NODES, D), jnp.float32),
            pltpu.VMEM((2, CHUNK), jnp.int32),
            pltpu.VMEM((2, CHUNK), jnp.int32),
            pltpu.VMEM((2, CHUNK, D), jnp.float32),
            pltpu.VMEM((ROW_CHUNK, D), jnp.float32),
            pltpu.SemaphoreType.DMA,
            pltpu.SemaphoreType.DMA,
            pltpu.SemaphoreType.DMA,
        ],
    )
    return f(src, dst, y)



def kernel(x, edge_index, W1, bias, W2, b2):
    src = edge_index[0]
    dst = edge_index[1]

    y = pl.pallas_call(
        _mm_body,
        grid=(N_BLK,),
        in_specs=[
            pl.BlockSpec((ROW_BLK, D), lambda i: (i, 0)),
            pl.BlockSpec((D, D), lambda i: (0, 0)),
            pl.BlockSpec((D, D), lambda i: (0, 0)),
        ],
        out_specs=pl.BlockSpec((ROW_BLK, D), lambda i: (i, 0)),
        out_shape=jax.ShapeDtypeStruct((N_NODES, D), jnp.float32),
    )(x, W1, W2)

    p = _sc_propagate(src, dst, y)

    out = pl.pallas_call(
        _combine_body,
        grid=(N_BLK,),
        in_specs=[
            pl.BlockSpec((NC, ROW_BLK, D), lambda i: (0, i, 0)),
            pl.BlockSpec((1, D), lambda i: (0, 0)),
            pl.BlockSpec((D, D), lambda i: (0, 0)),
            pl.BlockSpec((1, D), lambda i: (0, 0)),
        ],
        out_specs=pl.BlockSpec((ROW_BLK, D), lambda i: (i, 0)),
        out_shape=jax.ShapeDtypeStruct((N_NODES, D), jnp.float32),
    )(p, bias[None, :], W2, b2[None, :])

    return out

# --- scband reference (transcript-rebuilt; emitter-appended) ---
"""Pipeline reference for scband-gcn-classifier-90443421319565 (READ-ONLY COPY).

The authoritative reference and input builder live on the scoring server;
editing this copy changes nothing except your own understanding.
"""

import jax, jax.numpy as jnp
import numpy as np

N_NODES = 10000
N_EDGES = 320000
D_FEAT = 128
HIDDEN = 128
N_CLASSES = 128


def setup_inputs(seed: int = 0) -> dict:
    key = jax.random.key(seed)
    k1, k2, k3, k4, k5 = jax.random.split(key, 5)
    x = jax.random.normal(k1, (N_NODES, D_FEAT), dtype=jnp.float32)
    edge_index = jax.random.randint(k2, (2, N_EDGES), 0, N_NODES, dtype=jnp.int32)
    # lin1: Linear(num_features, hidden, bias=False) -> weight [hidden, num_features]
    W1 = jax.random.normal(k3, (HIDDEN, D_FEAT), dtype=jnp.float32) * (1.0 / np.sqrt(D_FEAT))
    # free-standing bias Parameter of shape [num_classes]
    bias = jnp.zeros((N_CLASSES,), dtype=jnp.float32)
    # lin2: Linear(hidden, num_classes) -> weight [num_classes, hidden], bias [num_classes]
    W2 = jax.random.normal(k4, (N_CLASSES, HIDDEN), dtype=jnp.float32) * (1.0 / np.sqrt(HIDDEN))
    b2 = jax.random.normal(k5, (N_CLASSES,), dtype=jnp.float32) * (1.0 / np.sqrt(HIDDEN))
    return {"x": x, "edge_index": edge_index, "W1": W1, "bias": bias, "W2": W2, "b2": b2}


def propagate(x, edge_index):
    # sum-aggregation message passing: for each edge (src, dst), scatter-add x[src] into dst
    src = edge_index[0]
    dst = edge_index[1]
    messages = jnp.take(x, src, axis=0)
    return jax.ops.segment_sum(messages, dst, num_segments=x.shape[0])


def reference(x, edge_index, W1, bias, W2, b2):
    h = propagate(x, edge_index)
    h = h @ W1.T + bias  # lin1 (no bias) + free-standing bias parameter
    h = h @ W2.T + b2    # lin2
    return h

if __name__ == "__main__":
    import jax
    _d = setup_inputs()
    print(jax.jit(kernel)(*tuple(_d.values())))

</pallas_src>

<mosaic_0001>
#map = affine_map<(d0, d1) -> (0)>
#map1 = affine_map<(d0, d1) -> (0, 0)>
#map2 = affine_map<(d0, d1) -> (0, 0, 0)>
module attributes {stable_mosaic.version = 14 : i64} {
  func.func @_sc_body(%arg0: i32, %arg1: i32, %arg2: memref<320000xi32, #tpu.memory_space<hbm>>, %arg3: memref<320000xi32, #tpu.memory_space<hbm>>, %arg4: memref<10000x128xf32, #tpu.memory_space<hbm>>, %arg5: memref<2x10000x128xf32, #tpu.memory_space<hbm>>, %arg6: memref<10000x128xf32, #tpu.memory_space<vmem_shared>>, %arg7: memref<2x80xi32, #tpu.memory_space<vmem>>, %arg8: memref<2x80xi32, #tpu.memory_space<vmem>>, %arg9: memref<2x80x128xf32, #tpu.memory_space<vmem>>, %arg10: memref<80x128xf32, #tpu.memory_space<vmem>>, %arg11: memref<!tpu.dma_semaphore, #tpu.memory_space<semaphore_mem>>, %arg12: memref<!tpu.dma_semaphore, #tpu.memory_space<semaphore_mem>>, %arg13: memref<!tpu.dma_semaphore, #tpu.memory_space<semaphore_mem>>) attributes {dimension_semantics = [#tpu.dimension_semantics<core_parallel>, #tpu.dimension_semantics<subcore_parallel>], iteration_bounds = array<i64: 2, 16>, scalar_prefetch = 0 : i64, scratch_operands = 8 : i64, tpu.core_type = #tpu.core_type<sc_vector_subcore>, window_params = [{transform_indices = #map}, {transform_indices = #map}, {transform_indices = #map1}, {transform_indices = #map2}]} {
    %mul3A = arith.constant 16 : i32
    %mul3A_0 = arith.muli %arg0, %mul3A : i32
    %add3A = arith.addi %mul3A_0, %arg1 : i32
    %scan3A = arith.constant 0 : i32
    %scan3A_1 = arith.constant 80 : i32
    %scan3A_2 = arith.addi %scan3A, %scan3A_1 : i32
    %scan3A_3 = arith.constant 1 : i32
    scf.for %scan3A_170 = %scan3A to %scan3A_2 step %scan3A_3  : i32 {
      %broadcast_in_dim3A = arith.constant 0.000000e+00 : f32
      %broadcast_in_dim3A_171 = vector.broadcast %broadcast_in_dim3A : f32 to vector<16xf32>
      %swap3A = arith.index_cast %scan3A_170 : i32 to index
      %swap3A_172 = arith.constant 0 : index
      %swap3A_173 = tpu.vector_load %arg10[%swap3A, %swap3A_172] {strides = array<i32>} : memref<80x128xf32, #tpu.memory_space<vmem>>, vector<1x16xf32>,
      %swap3A_174 = vector.shape_cast %swap3A_173 : vector<1x16xf32> to vector<16xf32>
      %swap3A_175 = vector.shape_cast %broadcast_in_dim3A_171 : vector<16xf32> to vector<1x16xf32>
      tpu.vector_store %arg10[%swap3A, %swap3A_172], %swap3A_175 {strides = array<i32>} : memref<80x128xf32, #tpu.memory_space<vmem>>, vector<1x16xf32>,
      %broadcast_in_dim3A_176 = arith.constant 0.000000e+00 : f32
      %broadcast_in_dim3A_177 = vector.broadcast %broadcast_in_dim3A_176 : f32 to vector<16xf32>
      %swap3A_178 = arith.index_cast %scan3A_170 : i32 to index
      %swap3A_179 = arith.constant 16 : index
      %swap3A_180 = tpu.vector_load %arg10[%swap3A_178, %swap3A_179] {strides = array<i32>} : memref<80x128xf32, #tpu.memory_space<vmem>>, vector<1x16xf32>,
      %swap3A_181 = vector.shape_cast %swap3A_180 : vector<1x16xf32> to vector<16xf32>
      %swap3A_182 = vector.shape_cast %broadcast_in_dim3A_177 : vector<16xf32> to vector<1x16xf32>
      tpu.vector_store %arg10[%swap3A_178, %swap3A_179], %swap3A_182 {strides = array<i32>} : memref<80x128xf32, #tpu.memory_space<vmem>>, vector<1x16xf32>,
      %broadcast_in_dim3A_183 = arith.constant 0.000000e+00 : f32
      %broadcast_in_dim3A_184 = vector.broadcast %broadcast_in_dim3A_183 : f32 to vector<16xf32>
      %swap3A_185 = arith.index_cast %scan3A_170 : i32 to index
      %swap3A_186 = arith.constant 32 : index
      %swap3A_187 = tpu.vector_load %arg10[%swap3A_185, %swap3A_186] {strides = array<i32>} : memref<80x128xf32, #tpu.memory_space<vmem>>, vector<1x16xf32>,
      %swap3A_188 = vector.shape_cast %swap3A_187 : vector<1x16xf32> to vector<16xf32>
      %swap3A_189 = vector.shape_cast %broadcast_in_dim3A_184 : vector<16xf32> to vector<1x16xf32>
      tpu.vector_store %arg10[%swap3A_185, %swap3A_186], %swap3A_189 {strides = array<i32>} : memref<80x128xf32, #tpu.memory_space<vmem>>, vector<1x16xf32>,
      %broadcast_in_dim3A_190 = arith.constant 0.000000e+00 : f32
      %broadcast_in_dim3A_191 = vector.broadcast %broadcast_in_dim3A_190 : f32 to vector<16xf32>
      %swap3A_192 = arith.index_cast %scan3A_170 : i32 to index
      %swap3A_193 = arith.constant 48 : index
      %swap3A_194 = tpu.vector_load %arg10[%swap3A_192, %swap3A_193] {strides = array<i32>} : memref<80x128xf32, #tpu.memory_space<vmem>>, vector<1x16xf32>,
      %swap3A_195 = vector.shape_cast %swap3A_194 : vector<1x16xf32> to vector<16xf32>
      %swap3A_196 = vector.shape_cast %broadcast_in_dim3A_191 : vector<16xf32> to vector<1x16xf32>
      tpu.vector_store %arg10[%swap3A_192, %swap3A_193], %swap3A_196 {strides = array<i32>} : memref<80x128xf32, #tpu.memory_space<vmem>>, vector<1x16xf32>,
      %broadcast_in_dim3A_197 = arith.constant 0.000000e+00 : f32
      %broadcast_in_dim3A_198 = vector.broadcast %broadcast_in_dim3A_197 : f32 to vector<16xf32>
      %swap3A_199 = arith.index_cast %scan3A_170 : i32 to index
      %swap3A_200 = arith.constant 64 : index
      %swap3A_201 = tpu.vector_load %arg10[%swap3A_199, %swap3A_200] {strides = array<i32>} : memref<80x128xf32, #tpu.memory_space<vmem>>, vector<1x16xf32>,
      %swap3A_202 = vector.shape_cast %swap3A_201 : vector<1x16xf32> to vector<16xf32>
      %swap3A_203 = vector.shape_cast %broadcast_in_dim3A_198 : vector<16xf32> to vector<1x16xf32>
      tpu.vector_store %arg10[%swap3A_199, %swap3A_200], %swap3A_203 {strides = array<i32>} : memref<80x128xf32, #tpu.memory_space<vmem>>, vector<1x16xf32>,
      %broadcast_in_dim3A_204 = arith.constant 0.000000e+00 : f32
      %broadcast_in_dim3A_205 = vector.broadcast %broadcast_in_dim3A_204 : f32 to vector<16xf32>
      %swap3A_206 = arith.index_cast %scan3A_170 : i32 to index
      %swap3A_207 = arith.constant 80 : index
      %swap3A_208 = tpu.vector_load %arg10[%swap3A_206, %swap3A_207] {strides = array<i32>} : memref<80x128xf32, #tpu.memory_space<vmem>>, vector<1x16xf32>,
      %swap3A_209 = vector.shape_cast %swap3A_208 : vector<1x16xf32> to vector<16xf32>
      %swap3A_210 = vector.shape_cast %broadcast_in_dim3A_205 : vector<16xf32> to vector<1x16xf32>
      tpu.vector_store %arg10[%swap3A_206, %swap3A_207], %swap3A_210 {strides = array<i32>} : memref<80x128xf32, #tpu.memory_space<vmem>>, vector<1x16xf32>,
      %broadcast_in_dim3A_211 = arith.constant 0.000000e+00 : f32
      %broadcast_in_dim3A_212 = vector.broadcast %broadcast_in_dim3A_211 : f32 to vector<16xf32>
      %swap3A_213 = arith.index_cast %scan3A_170 : i32 to index
      %swap3A_214 = arith.constant 96 : index
      %swap3A_215 = tpu.vector_load %arg10[%swap3A_213, %swap3A_214] {strides = array<i32>} : memref<80x128xf32, #tpu.memory_space<vmem>>, vector<1x16xf32>,
      %swap3A_216 = vector.shape_cast %swap3A_215 : vector<1x16xf32> to vector<16xf32>
      %swap3A_217 = vector.shape_cast %broadcast_in_dim3A_212 : vector<16xf32> to vector<1x16xf32>
      tpu.vector_store %arg10[%swap3A_213, %swap3A_214], %swap3A_217 {strides = array<i32>} : memref<80x128xf32, #tpu.memory_space<vmem>>, vector<1x16xf32>,
      %broadcast_in_dim3A_218 = arith.constant 0.000000e+00 : f32
      %broadcast_in_dim3A_219 = vector.broadcast %broadcast_in_dim3A_218 : f32 to vector<16xf32>
      %swap3A_220 = arith.index_cast %scan3A_170 : i32 to index
      %swap3A_221 = arith.constant 112 : index
      %swap3A_222 = tpu.vector_load %arg10[%swap3A_220, %swap3A_221] {strides = array<i32>} : memref<80x128xf32, #tpu.memory_space<vmem>>, vector<1x16xf32>,
      %swap3A_223 = vector.shape_cast %swap3A_222 : vector<1x16xf32> to vector<16xf32>
      %swap3A_224 = vector.shape_cast %broadcast_in_dim3A_219 : vector<16xf32> to vector<1x16xf32>
      tpu.vector_store %arg10[%swap3A_220, %swap3A_221], %swap3A_224 {strides = array<i32>} : memref<80x128xf32, #tpu.memory_space<vmem>>, vector<1x16xf32>,
    }
    %scan3A_4 = arith.constant 80 : i32
    %mul3A_5 = arith.constant 8 : i32
    %mul3A_6 = arith.muli %arg1, %mul3A_5 : i32
    %add3A_7 = arith.constant 0 : i32
    %add3A_8 = arith.addi %mul3A_6, %add3A_7 : i32
    %lt3A = arith.constant 125 : i32
    %lt3A_9 = arith.cmpi slt, %add3A_8, %lt3A : i32
    %convert_element_type3A = arith.extui %lt3A_9 : i1 to i32
    %cond3A = arith.constant 0 : i32
    %cond3A_10 = arith.cmpi ne, %convert_element_type3A, %cond3A : i32
    scf.if %cond3A_10 {
      %mul3A_170 = arith.constant 80 : i32
      %mul3A_171 = arith.muli %add3A_8, %mul3A_170 : i32
      %multiple_of3A_172 = tpu.assume_multiple %mul3A_171, 80 : i32
      "tpu.region"() ({
        %run_scoped3A_173 = tpu.sem_alloc : memref<!tpu.dma_semaphore, #tpu.memory_space<semaphore_mem>>
        %dma_start3A = arith.constant 0 : i32
        %dma_start3A_174 = tpu.memref_slice %arg6[%multiple_of3A_172, %dma_start3A] : memref<10000x128xf32, #tpu.memory_space<vmem_shared>> -> memref<80x128xf32, #tpu.memory_space<vmem_shared>>
        %dma_start3A_175 = arith.constant 0 : i32
        %dma_start3A_176 = tpu.memref_slice %arg6[%multiple_of3A_172, %dma_start3A_175] : memref<10000x128xf32, #tpu.memory_space<vmem_shared>> -> memref<80x128xf32, #tpu.memory_space<vmem_shared>>
        tpu.enqueue_dma source(%arg10 : memref<80x128xf32, #tpu.memory_space<vmem>>) target(%dma_start3A_176 : memref<80x128xf32, #tpu.memory_space<vmem_shared>>) target_semaphore(%run_scoped3A_173 : memref<!tpu.dma_semaphore, #tpu.memory_space<semaphore_mem>>)
        %dma_wait3A_177 = arith.constant 0 : i32
        %dma_wait3A_178 = tpu.memref_slice %arg6[%multiple_of3A_172, %dma_wait3A_177] : memref<10000x128xf32, #tpu.memory_space<vmem_shared>> -> memref<80x128xf32, #tpu.memory_space<vmem_shared>>
        %dma_wait3A_179 = arith.constant 0 : i32
        %dma_wait3A_180 = tpu.memref_slice %arg6[%multiple_of3A_172, %dma_wait3A_179] : memref<10000x128xf32, #tpu.memory_space<vmem_shared>> -> memref<80x128xf32, #tpu.memory_space<vmem_shared>>
        tpu.wait_dma2 semaphore(%run_scoped3A_173 : memref<!tpu.dma_semaphore, #tpu.memory_space<semaphore_mem>>) src(%arg10 : memref<80x128xf32, #tpu.memory_space<vmem>>) dst(%dma_wait3A_180 : memref<80x128xf32, #tpu.memory_space<vmem_shared>>)
        tpu.yield
      }) : () -> ()
    } else {
    }
    %mul3A_11 = arith.constant 8 : i32
    %mul3A_12 = arith.muli %arg1, %mul3A_11 : i32
    %add3A_13 = arith.constant 1 : i32
    %add3A_14 = arith.addi %mul3A_12, %add3A_13 : i32
    %lt3A_15 = arith.constant 125 : i32
    %lt3A_16 = arith.cmpi slt, %add3A_14, %lt3A_15 : i32
    %convert_element_type3A_17 = arith.extui %lt3A_16 : i1 to i32
    %cond3A_18 = arith.constant 0 : i32
    %cond3A_19 = arith.cmpi ne, %convert_element_type3A_17, %cond3A_18 : i32
    scf.if %cond3A_19 {
      %mul3A_170 = arith.constant 80 : i32
      %mul3A_171 = arith.muli %add3A_14, %mul3A_170 : i32
      %multiple_of3A_172 = tpu.assume_multiple %mul3A_171, 80 : i32
      "tpu.region"() ({
        %run_scoped3A_173 = tpu.sem_alloc : memref<!tpu.dma_semaphore, #tpu.memory_space<semaphore_mem>>
        %dma_start3A = arith.constant 0 : i32
        %dma_start3A_174 = tpu.memref_slice %arg6[%multiple_of3A_172, %dma_start3A] : memref<10000x128xf32, #tpu.memory_space<vmem_shared>> -> memref<80x128xf32, #tpu.memory_space<vmem_shared>>
        %dma_start3A_175 = arith.constant 0 : i32
        %dma_start3A_176 = tpu.memref_slice %arg6[%multiple_of3A_172, %dma_start3A_175] : memref<10000x128xf32, #tpu.memory_space<vmem_shared>> -> memref<80x128xf32, #tpu.memory_space<vmem_shared>>
        tpu.enqueue_dma source(%arg10 : memref<80x128xf32, #tpu.memory_space<vmem>>) target(%dma_start3A_176 : memref<80x128xf32, #tpu.memory_space<vmem_shared>>) target_semaphore(%run_scoped3A_173 : memref<!tpu.dma_semaphore, #tpu.memory_space<semaphore_mem>>)
        %dma_wait3A_177 = arith.constant 0 : i32
        %dma_wait3A_178 = tpu.memref_slice %arg6[%multiple_of3A_172, %dma_wait3A_177] : memref<10000x128xf32, #tpu.memory_space<vmem_shared>> -> memref<80x128xf32, #tpu.memory_space<vmem_shared>>
        %dma_wait3A_179 = arith.constant 0 : i32
        %dma_wait3A_180 = tpu.memref_slice %arg6[%multiple_of3A_172, %dma_wait3A_179] : memref<10000x128xf32, #tpu.memory_space<vmem_shared>> -> memref<80x128xf32, #tpu.memory_space<vmem_shared>>
        tpu.wait_dma2 semaphore(%run_scoped3A_173 : memref<!tpu.dma_semaphore, #tpu.memory_space<semaphore_mem>>) src(%arg10 : memref<80x128xf32, #tpu.memory_space<vmem>>) dst(%dma_wait3A_180 : memref<80x128xf32, #tpu.memory_space<vmem_shared>>)
        tpu.yield
      }) : () -> ()
    } else {
    }
    %mul3A_20 = arith.constant 8 : i32
    %mul3A_21 = arith.muli %arg1, %mul3A_20 : i32
    %add3A_22 = arith.constant 2 : i32
    %add3A_23 = arith.addi %mul3A_21, %add3A_22 : i32
    %lt3A_24 = arith.constant 125 : i32
    %lt3A_25 = arith.cmpi slt, %add3A_23, %lt3A_24 : i32
    %convert_element_type3A_26 = arith.extui %lt3A_25 : i1 to i32
    %cond3A_27 = arith.constant 0 : i32
    %cond3A_28 = arith.cmpi ne, %convert_element_type3A_26, %cond3A_27 : i32
    scf.if %cond3A_28 {
      %mul3A_170 = arith.constant 80 : i32
      %mul3A_171 = arith.muli %add3A_23, %mul3A_170 : i32
      %multiple_of3A_172 = tpu.assume_multiple %mul3A_171, 80 : i32
      "tpu.region"() ({
        %run_scoped3A_173 = tpu.sem_alloc : memref<!tpu.dma_semaphore, #tpu.memory_space<semaphore_mem>>
        %dma_start3A = arith.constant 0 : i32
        %dma_start3A_174 = tpu.memref_slice %arg6[%multiple_of3A_172, %dma_start3A] : memref<10000x128xf32, #tpu.memory_space<vmem_shared>> -> memref<80x128xf32, #tpu.memory_space<vmem_shared>>
        %dma_start3A_175 = arith.constant 0 : i32
        %dma_start3A_176 = tpu.memref_slice %arg6[%multiple_of3A_172, %dma_start3A_175] : memref<10000x128xf32, #tpu.memory_space<vmem_shared>> -> memref<80x128xf32, #tpu.memory_space<vmem_shared>>
        tpu.enqueue_dma source(%arg10 : memref<80x128xf32, #tpu.memory_space<vmem>>) target(%dma_start3A_176 : memref<80x128xf32, #tpu.memory_space<vmem_shared>>) target_semaphore(%run_scoped3A_173 : memref<!tpu.dma_semaphore, #tpu.memory_space<semaphore_mem>>)
        %dma_wait3A_177 = arith.constant 0 : i32
        %dma_wait3A_178 = tpu.memref_slice %arg6[%multiple_of3A_172, %dma_wait3A_177] : memref<10000x128xf32, #tpu.memory_space<vmem_shared>> -> memref<80x128xf32, #tpu.memory_space<vmem_shared>>
        %dma_wait3A_179 = arith.constant 0 : i32
        %dma_wait3A_180 = tpu.memref_slice %arg6[%multiple_of3A_172, %dma_wait3A_179] : memref<10000x128xf32, #tpu.memory_space<vmem_shared>> -> memref<80x128xf32, #tpu.memory_space<vmem_shared>>
        tpu.wait_dma2 semaphore(%run_scoped3A_173 : memref<!tpu.dma_semaphore, #tpu.memory_space<semaphore_mem>>) src(%arg10 : memref<80x128xf32, #tpu.memory_space<vmem>>) dst(%dma_wait3A_180 : memref<80x128xf32, #tpu.memory_space<vmem_shared>>)
        tpu.yield
      }) : () -> ()
    } else {
    }
    %mul3A_29 = arith.constant 8 : i32
    %mul3A_30 = arith.muli %arg1, %mul3A_29 : i32
    %add3A_31 = arith.constant 3 : i32
    %add3A_32 = arith.addi %mul3A_30, %add3A_31 : i32
    %lt3A_33 = arith.constant 125 : i32
    %lt3A_34 = arith.cmpi slt, %add3A_32, %lt3A_33 : i32
    %convert_element_type3A_35 = arith.extui %lt3A_34 : i1 to i32
    %cond3A_36 = arith.constant 0 : i32
    %cond3A_37 = arith.cmpi ne, %convert_element_type3A_35, %cond3A_36 : i32
    scf.if %cond3A_37 {
      %mul3A_170 = arith.constant 80 : i32
      %mul3A_171 = arith.muli %add3A_32, %mul3A_170 : i32
      %multiple_of3A_172 = tpu.assume_multiple %mul3A_171, 80 : i32
      "tpu.region"() ({
        %run_scoped3A_173 = tpu.sem_alloc : memref<!tpu.dma_semaphore, #tpu.memory_space<semaphore_mem>>
        %dma_start3A = arith.constant 0 : i32
        %dma_start3A_174 = tpu.memref_slice %arg6[%multiple_of3A_172, %dma_start3A] : memref<10000x128xf32, #tpu.memory_space<vmem_shared>> -> memref<80x128xf32, #tpu.memory_space<vmem_shared>>
        %dma_start3A_175 = arith.constant 0 : i32
        %dma_start3A_176 = tpu.memref_slice %arg6[%multiple_of3A_172, %dma_start3A_175] : memref<10000x128xf32, #tpu.memory_space<vmem_shared>> -> memref<80x128xf32, #tpu.memory_space<vmem_shared>>
        tpu.enqueue_dma source(%arg10 : memref<80x128xf32, #tpu.memory_space<vmem>>) target(%dma_start3A_176 : memref<80x128xf32, #tpu.memory_space<vmem_shared>>) target_semaphore(%run_scoped3A_173 : memref<!tpu.dma_semaphore, #tpu.memory_space<semaphore_mem>>)
        %dma_wait3A_177 = arith.constant 0 : i32
        %dma_wait3A_178 = tpu.memref_slice %arg6[%multiple_of3A_172, %dma_wait3A_177] : memref<10000x128xf32, #tpu.memory_space<vmem_shared>> -> memref<80x128xf32, #tpu.memory_space<vmem_shared>>
        %dma_wait3A_179 = arith.constant 0 : i32
        %dma_wait3A_180 = tpu.memref_slice %arg6[%multiple_of3A_172, %dma_wait3A_179] : memref<10000x128xf32, #tpu.memory_space<vmem_shared>> -> memref<80x128xf32, #tpu.memory_space<vmem_shared>>
        tpu.wait_dma2 semaphore(%run_scoped3A_173 : memref<!tpu.dma_semaphore, #tpu.memory_space<semaphore_mem>>) src(%arg10 : memref<80x128xf32, #tpu.memory_space<vmem>>) dst(%dma_wait3A_180 : memref<80x128xf32, #tpu.memory_space<vmem_shared>>)
        tpu.yield
      }) : () -> ()
    } else {
    }
    %mul3A_38 = arith.constant 8 : i32
    %mul3A_39 = arith.muli %arg1, %mul3A_38 : i32
    %add3A_40 = arith.constant 4 : i32
    %add3A_41 = arith.addi %mul3A_39, %add3A_40 : i32
    %lt3A_42 = arith.constant 125 : i32
    %lt3A_43 = arith.cmpi slt, %add3A_41, %lt3A_42 : i32
    %convert_element_type3A_44 = arith.extui %lt3A_43 : i1 to i32
    %cond3A_45 = arith.constant 0 : i32
    %cond3A_46 = arith.cmpi ne, %convert_element_type3A_44, %cond3A_45 : i32
    scf.if %cond3A_46 {
      %mul3A_170 = arith.constant 80 : i32
      %mul3A_171 = arith.muli %add3A_41, %mul3A_170 : i32
      %multiple_of3A_172 = tpu.assume_multiple %mul3A_171, 80 : i32
      "tpu.region"() ({
        %run_scoped3A_173 = tpu.sem_alloc : memref<!tpu.dma_semaphore, #tpu.memory_space<semaphore_mem>>
        %dma_start3A = arith.constant 0 : i32
        %dma_start3A_174 = tpu.memref_slice %arg6[%multiple_of3A_172, %dma_start3A] : memref<10000x128xf32, #tpu.memory_space<vmem_shared>> -> memref<80x128xf32, #tpu.memory_space<vmem_shared>>
        %dma_start3A_175 = arith.constant 0 : i32
        %dma_start3A_176 = tpu.memref_slice %arg6[%multiple_of3A_172, %dma_start3A_175] : memref<10000x128xf32, #tpu.memory_space<vmem_shared>> -> memref<80x128xf32, #tpu.memory_space<vmem_shared>>
        tpu.enqueue_dma source(%arg10 : memref<80x128xf32, #tpu.memory_space<vmem>>) target(%dma_start3A_176 : memref<80x128xf32, #tpu.memory_space<vmem_shared>>) target_semaphore(%run_scoped3A_173 : memref<!tpu.dma_semaphore, #tpu.memory_space<semaphore_mem>>)
        %dma_wait3A_177 = arith.constant 0 : i32
        %dma_wait3A_178 = tpu.memref_slice %arg6[%multiple_of3A_172, %dma_wait3A_177] : memref<10000x128xf32, #tpu.memory_space<vmem_shared>> -> memref<80x128xf32, #tpu.memory_space<vmem_shared>>
        %dma_wait3A_179 = arith.constant 0 : i32
        %dma_wait3A_180 = tpu.memref_slice %arg6[%multiple_of3A_172, %dma_wait3A_179] : memref<10000x128xf32, #tpu.memory_space<vmem_shared>> -> memref<80x128xf32, #tpu.memory_space<vmem_shared>>
        tpu.wait_dma2 semaphore(%run_scoped3A_173 : memref<!tpu.dma_semaphore, #tpu.memory_space<semaphore_mem>>) src(%arg10 : memref<80x128xf32, #tpu.memory_space<vmem>>) dst(%dma_wait3A_180 : memref<80x128xf32, #tpu.memory_space<vmem_shared>>)
        tpu.yield
      }) : () -> ()
    } else {
    }
    %mul3A_47 = arith.constant 8 : i32
    %mul3A_48 = arith.muli %arg1, %mul3A_47 : i32
    %add3A_49 = arith.constant 5 : i32
    %add3A_50 = arith.addi %mul3A_48, %add3A_49 : i32
    %lt3A_51 = arith.constant 125 : i32
    %lt3A_52 = arith.cmpi slt, %add3A_50, %lt3A_51 : i32
    %convert_element_type3A_53 = arith.extui %lt3A_52 : i1 to i32
    %cond3A_54 = arith.constant 0 : i32
    %cond3A_55 = arith.cmpi ne, %convert_element_type3A_53, %cond3A_54 : i32
    scf.if %cond3A_55 {
      %mul3A_170 = arith.constant 80 : i32
      %mul3A_171 = arith.muli %add3A_50, %mul3A_170 : i32
      %multiple_of3A_172 = tpu.assume_multiple %mul3A_171, 80 : i32
      "tpu.region"() ({
        %run_scoped3A_173 = tpu.sem_alloc : memref<!tpu.dma_semaphore, #tpu.memory_space<semaphore_mem>>
        %dma_start3A = arith.constant 0 : i32
        %dma_start3A_174 = tpu.memref_slice %arg6[%multiple_of3A_172, %dma_start3A] : memref<10000x128xf32, #tpu.memory_space<vmem_shared>> -> memref<80x128xf32, #tpu.memory_space<vmem_shared>>
        %dma_start3A_175 = arith.constant 0 : i32
        %dma_start3A_176 = tpu.memref_slice %arg6[%multiple_of3A_172, %dma_start3A_175] : memref<10000x128xf32, #tpu.memory_space<vmem_shared>> -> memref<80x128xf32, #tpu.memory_space<vmem_shared>>
        tpu.enqueue_dma source(%arg10 : memref<80x128xf32, #tpu.memory_space<vmem>>) target(%dma_start3A_176 : memref<80x128xf32, #tpu.memory_space<vmem_shared>>) target_semaphore(%run_scoped3A_173 : memref<!tpu.dma_semaphore, #tpu.memory_space<semaphore_mem>>)
        %dma_wait3A_177 = arith.constant 0 : i32
        %dma_wait3A_178 = tpu.memref_slice %arg6[%multiple_of3A_172, %dma_wait3A_177] : memref<10000x128xf32, #tpu.memory_space<vmem_shared>> -> memref<80x128xf32, #tpu.memory_space<vmem_shared>>
        %dma_wait3A_179 = arith.constant 0 : i32
        %dma_wait3A_180 = tpu.memref_slice %arg6[%multiple_of3A_172, %dma_wait3A_179] : memref<10000x128xf32, #tpu.memory_space<vmem_shared>> -> memref<80x128xf32, #tpu.memory_space<vmem_shared>>
        tpu.wait_dma2 semaphore(%run_scoped3A_173 : memref<!tpu.dma_semaphore, #tpu.memory_space<semaphore_mem>>) src(%arg10 : memref<80x128xf32, #tpu.memory_space<vmem>>) dst(%dma_wait3A_180 : memref<80x128xf32, #tpu.memory_space<vmem_shared>>)
        tpu.yield
      }) : () -> ()
    } else {
    }
    %mul3A_56 = arith.constant 8 : i32
    %mul3A_57 = arith.muli %arg1, %mul3A_56 : i32
    %add3A_58 = arith.constant 6 : i32
    %add3A_59 = arith.addi %mul3A_57, %add3A_58 : i32
    %lt3A_60 = arith.constant 125 : i32
    %lt3A_61 = arith.cmpi slt, %add3A_59, %lt3A_60 : i32
    %convert_element_type3A_62 = arith.extui %lt3A_61 : i1 to i32
    %cond3A_63 = arith.constant 0 : i32
    %cond3A_64 = arith.cmpi ne, %convert_element_type3A_62, %cond3A_63 : i32
    scf.if %cond3A_64 {
      %mul3A_170 = arith.constant 80 : i32
      %mul3A_171 = arith.muli %add3A_59, %mul3A_170 : i32
      %multiple_of3A_172 = tpu.assume_multiple %mul3A_171, 80 : i32
      "tpu.region"() ({
        %run_scoped3A_173 = tpu.sem_alloc : memref<!tpu.dma_semaphore, #tpu.memory_space<semaphore_mem>>
        %dma_start3A = arith.constant 0 : i32
        %dma_start3A_174 = tpu.memref_slice %arg6[%multiple_of3A_172, %dma_start3A] : memref<10000x128xf32, #tpu.memory_space<vmem_shared>> -> memref<80x128xf32, #tpu.memory_space<vmem_shared>>
        %dma_start3A_175 = arith.constant 0 : i32
        %dma_start3A_176 = tpu.memref_slice %arg6[%multiple_of3A_172, %dma_start3A_175] : memref<10000x128xf32, #tpu.memory_space<vmem_shared>> -> memref<80x128xf32, #tpu.memory_space<vmem_shared>>
        tpu.enqueue_dma source(%arg10 : memref<80x128xf32, #tpu.memory_space<vmem>>) target(%dma_start3A_176 : memref<80x128xf32, #tpu.memory_space<vmem_shared>>) target_semaphore(%run_scoped3A_173 : memref<!tpu.dma_semaphore, #tpu.memory_space<semaphore_mem>>)
        %dma_wait3A_177 = arith.constant 0 : i32
        %dma_wait3A_178 = tpu.memref_slice %arg6[%multiple_of3A_172, %dma_wait3A_177] : memref<10000x128xf32, #tpu.memory_space<vmem_shared>> -> memref<80x128xf32, #tpu.memory_space<vmem_shared>>
        %dma_wait3A_179 = arith.constant 0 : i32
        %dma_wait3A_180 = tpu.memref_slice %arg6[%multiple_of3A_172, %dma_wait3A_179] : memref<10000x128xf32, #tpu.memory_space<vmem_shared>> -> memref<80x128xf32, #tpu.memory_space<vmem_shared>>
        tpu.wait_dma2 semaphore(%run_scoped3A_173 : memref<!tpu.dma_semaphore, #tpu.memory_space<semaphore_mem>>) src(%arg10 : memref<80x128xf32, #tpu.memory_space<vmem>>) dst(%dma_wait3A_180 : memref<80x128xf32, #tpu.memory_space<vmem_shared>>)
        tpu.yield
      }) : () -> ()
    } else {
    }
    %mul3A_65 = arith.constant 8 : i32
    %mul3A_66 = arith.muli %arg1, %mul3A_65 : i32
    %add3A_67 = arith.constant 7 : i32
    %add3A_68 = arith.addi %mul3A_66, %add3A_67 : i32
    %lt3A_69 = arith.constant 125 : i32
    %lt3A_70 = arith.cmpi slt, %add3A_68, %lt3A_69 : i32
    %convert_element_type3A_71 = arith.extui %lt3A_70 : i1 to i32
    %cond3A_72 = arith.constant 0 : i32
    %cond3A_73 = arith.cmpi ne, %convert_element_type3A_71, %cond3A_72 : i32
    scf.if %cond3A_73 {
      %mul3A_170 = arith.constant 80 : i32
      %mul3A_171 = arith.muli %add3A_68, %mul3A_170 : i32
      %multiple_of3A_172 = tpu.assume_multiple %mul3A_171, 80 : i32
      "tpu.region"() ({
        %run_scoped3A_173 = tpu.sem_alloc : memref<!tpu.dma_semaphore, #tpu.memory_space<semaphore_mem>>
        %dma_start3A = arith.constant 0 : i32
        %dma_start3A_174 = tpu.memref_slice %arg6[%multiple_of3A_172, %dma_start3A] : memref<10000x128xf32, #tpu.memory_space<vmem_shared>> -> memref<80x128xf32, #tpu.memory_space<vmem_shared>>
        %dma_start3A_175 = arith.constant 0 : i32
        %dma_start3A_176 = tpu.memref_slice %arg6[%multiple_of3A_172, %dma_start3A_175] : memref<10000x128xf32, #tpu.memory_space<vmem_shared>> -> memref<80x128xf32, #tpu.memory_space<vmem_shared>>
        tpu.enqueue_dma source(%arg10 : memref<80x128xf32, #tpu.memory_space<vmem>>) target(%dma_start3A_176 : memref<80x128xf32, #tpu.memory_space<vmem_shared>>) target_semaphore(%run_scoped3A_173 : memref<!tpu.dma_semaphore, #tpu.memory_space<semaphore_mem>>)
        %dma_wait3A_177 = arith.constant 0 : i32
        %dma_wait3A_178 = tpu.memref_slice %arg6[%multiple_of3A_172, %dma_wait3A_177] : memref<10000x128xf32, #tpu.memory_space<vmem_shared>> -> memref<80x128xf32, #tpu.memory_space<vmem_shared>>
        %dma_wait3A_179 = arith.constant 0 : i32
        %dma_wait3A_180 = tpu.memref_slice %arg6[%multiple_of3A_172, %dma_wait3A_179] : memref<10000x128xf32, #tpu.memory_space<vmem_shared>> -> memref<80x128xf32, #tpu.memory_space<vmem_shared>>
        tpu.wait_dma2 semaphore(%run_scoped3A_173 : memref<!tpu.dma_semaphore, #tpu.memory_space<semaphore_mem>>) src(%arg10 : memref<80x128xf32, #tpu.memory_space<vmem>>) dst(%dma_wait3A_180 : memref<80x128xf32, #tpu.memory_space<vmem_shared>>)
        tpu.yield
      }) : () -> ()
    } else {
    }
    %barrier3A = arith.constant 0 : index
    tpu.barrier barrier_id(%barrier3A)
    %mul3A_74 = arith.constant 10000 : i32
    %mul3A_75 = arith.muli %add3A, %mul3A_74 : i32
    %multiple_of3A = tpu.assume_multiple %mul3A_75, 80 : i32
    %run_scoped3A = arith.constant 0 : i32
    "tpu.region"() ({
      %run_scoped3A_170 = tpu.sem_alloc : memref<!tpu.dma_semaphore, #tpu.memory_space<semaphore_mem>>
      %dma_start3A = arith.constant 0 : i32
      %dma_start3A_171 = tpu.memref_slice %arg7[%run_scoped3A, %dma_start3A] : memref<2x80xi32, #tpu.memory_space<vmem>> -> memref<1x80xi32, #tpu.memory_space<vmem>>
      %dma_start3A_172 = tpu.memref_squeeze %dma_start3A_171 : memref<1x80xi32, #tpu.memory_space<vmem>> -> memref<80xi32, #tpu.memory_space<vmem>>
      %dma_start3A_173 = tpu.memref_slice %arg2[%multiple_of3A] : memref<320000xi32, #tpu.memory_space<hbm>> -> memref<80xi32, #tpu.memory_space<hbm>>
      %dma_start3A_174 = arith.constant 0 : i32
      %dma_start3A_175 = tpu.memref_slice %arg7[%run_scoped3A, %dma_start3A_174] : memref<2x80xi32, #tpu.memory_space<vmem>> -> memref<1x80xi32, #tpu.memory_space<vmem>>
      %dma_start3A_176 = tpu.memref_squeeze %dma_start3A_175 : memref<1x80xi32, #tpu.memory_space<vmem>> -> memref<80xi32, #tpu.memory_space<vmem>>
      %dma_start3A_177 = tpu.memref_slice %arg2[%multiple_of3A] : memref<320000xi32, #tpu.memory_space<hbm>> -> memref<80xi32, #tpu.memory_space<hbm>>
      tpu.enqueue_dma source(%dma_start3A_177 : memref<80xi32, #tpu.memory_space<hbm>>) target(%dma_start3A_176 : memref<80xi32, #tpu.memory_space<vmem>>) target_semaphore(%run_scoped3A_170 : memref<!tpu.dma_semaphore, #tpu.memory_space<semaphore_mem>>)
      %dma_wait3A_178 = arith.constant 0 : i32
      %dma_wait3A_179 = tpu.memref_slice %arg7[%run_scoped3A, %dma_wait3A_178] : memref<2x80xi32, #tpu.memory_space<vmem>> -> memref<1x80xi32, #tpu.memory_space<vmem>>
      %dma_wait3A_180 = tpu.memref_squeeze %dma_wait3A_179 : memref<1x80xi32, #tpu.memory_space<vmem>> -> memref<80xi32, #tpu.memory_space<vmem>>
      %dma_wait3A_181 = tpu.memref_slice %arg2[%multiple_of3A] : memref<320000xi32, #tpu.memory_space<hbm>> -> memref<80xi32, #tpu.memory_space<hbm>>
      %dma_wait3A_182 = arith.constant 0 : i32
      %dma_wait3A_183 = tpu.memref_slice %arg7[%run_scoped3A, %dma_wait3A_182] : memref<2x80xi32, #tpu.memory_space<vmem>> -> memref<1x80xi32, #tpu.memory_space<vmem>>
      %dma_wait3A_184 = tpu.memref_squeeze %dma_wait3A_183 : memref<1x80xi32, #tpu.memory_space<vmem>> -> memref<80xi32, #tpu.memory_space<vmem>>
      %dma_wait3A_185 = tpu.memref_slice %arg2[%multiple_of3A] : memref<320000xi32, #tpu.memory_space<hbm>> -> memref<80xi32, #tpu.memory_space<hbm>>
      tpu.wait_dma2 semaphore(%run_scoped3A_170 : memref<!tpu.dma_semaphore, #tpu.memory_space<semaphore_mem>>) src(%dma_wait3A_185 : memref<80xi32, #tpu.memory_space<hbm>>) dst(%dma_wait3A_184 : memref<80xi32, #tpu.memory_space<vmem>>)
      tpu.yield
    }) : () -> ()
    %multiple_of3A_76 = tpu.assume_multiple %mul3A_75, 80 : i32
    %run_scoped3A_77 = arith.constant 0 : i32
    "tpu.region"() ({
      %run_scoped3A_170 = tpu.sem_alloc : memref<!tpu.dma_semaphore, #tpu.memory_space<semaphore_mem>>
      %dma_start3A = arith.constant 0 : i32
      %dma_start3A_171 = tpu.memref_slice %arg8[%run_scoped3A_77, %dma_start3A] : memref<2x80xi32, #tpu.memory_space<vmem>> -> memref<1x80xi32, #tpu.memory_space<vmem>>
      %dma_start3A_172 = tpu.memref_squeeze %dma_start3A_171 : memref<1x80xi32, #tpu.memory_space<vmem>> -> memref<80xi32, #tpu.memory_space<vmem>>
      %dma_start3A_173 = tpu.memref_slice %arg3[%multiple_of3A_76] : memref<320000xi32, #tpu.memory_space<hbm>> -> memref<80xi32, #tpu.memory_space<hbm>>
      %dma_start3A_174 = arith.constant 0 : i32
      %dma_start3A_175 = tpu.memref_slice %arg8[%run_scoped3A_77, %dma_start3A_174] : memref<2x80xi32, #tpu.memory_space<vmem>> -> memref<1x80xi32, #tpu.memory_space<vmem>>
      %dma_start3A_176 = tpu.memref_squeeze %dma_start3A_175 : memref<1x80xi32, #tpu.memory_space<vmem>> -> memref<80xi32, #tpu.memory_space<vmem>>
      %dma_start3A_177 = tpu.memref_slice %arg3[%multiple_of3A_76] : memref<320000xi32, #tpu.memory_space<hbm>> -> memref<80xi32, #tpu.memory_space<hbm>>
      tpu.enqueue_dma source(%dma_start3A_177 : memref<80xi32, #tpu.memory_space<hbm>>) target(%dma_start3A_176 : memref<80xi32, #tpu.memory_space<vmem>>) target_semaphore(%run_scoped3A_170 : memref<!tpu.dma_semaphore, #tpu.memory_space<semaphore_mem>>)
      %dma_wait3A_178 = arith.constant 0 : i32
      %dma_wait3A_179 = tpu.memref_slice %arg8[%run_scoped3A_77, %dma_wait3A_178] : memref<2x80xi32, #tpu.memory_space<vmem>> -> memref<1x80xi32, #tpu.memory_space<vmem>>
      %dma_wait3A_180 = tpu.memref_squeeze %dma_wait3A_179 : memref<1x80xi32, #tpu.memory_space<vmem>> -> memref<80xi32, #tpu.memory_space<vmem>>
      %dma_wait3A_181 = tpu.memref_slice %arg3[%multiple_of3A_76] : memref<320000xi32, #tpu.memory_space<hbm>> -> memref<80xi32, #tpu.memory_space<hbm>>
      %dma_wait3A_182 = arith.constant 0 : i32
      %dma_wait3A_183 = tpu.memref_slice %arg8[%run_scoped3A_77, %dma_wait3A_182] : memref<2x80xi32, #tpu.memory_space<vmem>> -> memref<1x80xi32, #tpu.memory_space<vmem>>
      %dma_wait3A_184 = tpu.memref_squeeze %dma_wait3A_183 : memref<1x80xi32, #tpu.memory_space<vmem>> -> memref<80xi32, #tpu.memory_space<vmem>>
      %dma_wait3A_185 = tpu.memref_slice %arg3[%multiple_of3A_76] : memref<320000xi32, #tpu.memory_space<hbm>> -> memref<80xi32, #tpu.memory_space<hbm>>
      tpu.wait_dma2 semaphore(%run_scoped3A_170 : memref<!tpu.dma_semaphore, #tpu.memory_space<semaphore_mem>>) src(%dma_wait3A_185 : memref<80xi32, #tpu.memory_space<hbm>>) dst(%dma_wait3A_184 : memref<80xi32, #tpu.memory_space<vmem>>)
      tpu.yield
    }) : () -> ()
    %scan3A_78 = arith.constant 0 : i32
    %scan3A_79 = arith.constant 125 : i32
    %scan3A_80 = arith.addi %scan3A_78, %scan3A_79 : i32
    %scan3A_81 = arith.constant 1 : i32
    scf.for %scan3A_170 = %scan3A_78 to %scan3A_80 step %scan3A_81  : i32 {
      %rem3A = arith.constant 2 : i32
      %rem3A_171 = arith.remsi %scan3A_170, %rem3A : i32
      %sub3A = arith.constant 1 : i32
      %sub3A_172 = arith.subi %sub3A, %rem3A_171 : i32
      %ge3A = arith.constant 1 : i32
      %ge3A_173 = arith.cmpi sge, %scan3A_170, %ge3A : i32
      %convert_element_type3A_174 = arith.extui %ge3A_173 : i1 to i32
      %cond3A_175 = arith.constant 0 : i32
      %cond3A_176 = arith.cmpi ne, %convert_element_type3A_174, %cond3A_175 : i32
      scf.if %cond3A_176 {
        %dma_wait3A_216 = arith.constant 0 : i32
        %dma_wait3A_217 = arith.constant 0 : i32
        %dma_wait3A_218 = tpu.memref_slice %arg9[%sub3A_172, %dma_wait3A_216, %dma_wait3A_217] : memref<2x80x128xf32, #tpu.memory_space<vmem>> -> memref<1x80x128xf32, #tpu.memory_space<vmem>>
        %dma_wait3A_219 = tpu.memref_squeeze %dma_wait3A_218 : memref<1x80x128xf32, #tpu.memory_space<vmem>> -> memref<80x128xf32, #tpu.memory_space<vmem>>
        %dma_wait3A_220 = arith.constant 0 : i32
        %dma_wait3A_221 = arith.constant 0 : i32
        %dma_wait3A_222 = tpu.memref_slice %arg4[%dma_wait3A_220, %dma_wait3A_221] : memref<10000x128xf32, #tpu.memory_space<hbm>> -> memref<80x128xf32, #tpu.memory_space<hbm>>
        %dma_wait3A_223 = arith.constant 0 : i32
        %dma_wait3A_224 = arith.constant 0 : i32
        %dma_wait3A_225 = tpu.memref_slice %arg9[%sub3A_172, %dma_wait3A_223, %dma_wait3A_224] : memref<2x80x128xf32, #tpu.memory_space<vmem>> -> memref<1x80x128xf32, #tpu.memory_space<vmem>>
        %dma_wait3A_226 = tpu.memref_squeeze %dma_wait3A_225 : memref<1x80x128xf32, #tpu.memory_space<vmem>> -> memref<80x128xf32, #tpu.memory_space<vmem>>
        %dma_wait3A_227 = arith.constant 0 : i32
        %dma_wait3A_228 = arith.constant 0 : i32
        %dma_wait3A_229 = tpu.memref_slice %arg4[%dma_wait3A_227, %dma_wait3A_228] : memref<10000x128xf32, #tpu.memory_space<hbm>> -> memref<80x128xf32, #tpu.memory_space<hbm>>
        tpu.wait_dma2 semaphore(%arg13 : memref<!tpu.dma_semaphore, #tpu.memory_space<semaphore_mem>>) src(%dma_wait3A_229 : memref<80x128xf32, #tpu.memory_space<hbm>>) dst(%dma_wait3A_226 : memref<80x128xf32, #tpu.memory_space<vmem>>)
      } else {
      }
      %dma_start3A = arith.constant 0 : i32
      %dma_start3A_177 = arith.constant 0 : i32
      %dma_start3A_178 = tpu.memref_slice %arg9[%rem3A_171, %dma_start3A, %dma_start3A_177] : memref<2x80x128xf32, #tpu.memory_space<vmem>> -> memref<1x80x128xf32, #tpu.memory_space<vmem>>
      %dma_start3A_179 = tpu.memref_squeeze %dma_start3A_178 : memref<1x80x128xf32, #tpu.memory_space<vmem>> -> memref<80x128xf32, #tpu.memory_space<vmem>>
      %dma_start3A_180 = arith.constant 0 : i32
      %dma_start3A_181 = tpu.memref_slice %arg7[%rem3A_171, %dma_start3A_180] : memref<2x80xi32, #tpu.memory_space<vmem>> -> memref<1x80xi32, #tpu.memory_space<vmem>>
      %dma_start3A_182 = tpu.memref_squeeze %dma_start3A_181 : memref<1x80xi32, #tpu.memory_space<vmem>> -> memref<80xi32, #tpu.memory_space<vmem>>
      %dma_start3A_183 = arith.constant 0 : i32
      %dma_start3A_184 = arith.constant 0 : i32
      %dma_start3A_185 = tpu.memref_slice %arg4[%dma_start3A_183, %dma_start3A_184] : memref<10000x128xf32, #tpu.memory_space<hbm>> -> memref<10000x128xf32, #tpu.memory_space<hbm>>
      tpu.enqueue_indirect_dma source(%dma_start3A_185 : memref<10000x128xf32, #tpu.memory_space<hbm>>) target(%dma_start3A_179 : memref<80x128xf32, #tpu.memory_space<vmem>>) offsets(%dma_start3A_182 : memref<80xi32, #tpu.memory_space<vmem>>) semaphore(%arg11 : memref<!tpu.dma_semaphore, #tpu.memory_space<semaphore_mem>>)
      %lt3A_186 = arith.constant 124 : i32
      %lt3A_187 = arith.cmpi slt, %scan3A_170, %lt3A_186 : i32
      %convert_element_type3A_188 = arith.extui %lt3A_187 : i1 to i32
      %cond3A_189 = arith.constant 0 : i32
      %cond3A_190 = arith.cmpi ne, %convert_element_type3A_188, %cond3A_189 : i32
      scf.if %cond3A_190 {
        %add3A_216 = arith.constant 1 : i32
        %add3A_217 = arith.addi %scan3A_170, %add3A_216 : i32
        %mul3A_218 = arith.constant 80 : i32
        %mul3A_219 = arith.muli %add3A_217, %mul3A_218 : i32
        %add3A_220 = arith.addi %mul3A_75, %mul3A_219 : i32
        %multiple_of3A_221 = tpu.assume_multiple %add3A_220, 80 : i32
        %dma_start3A_222 = arith.constant 0 : i32
        %dma_start3A_223 = tpu.memref_slice %arg7[%sub3A_172, %dma_start3A_222] : memref<2x80xi32, #tpu.memory_space<vmem>> -> memref<1x80xi32, #tpu.memory_space<vmem>>
        %dma_start3A_224 = tpu.memref_squeeze %dma_start3A_223 : memref<1x80xi32, #tpu.memory_space<vmem>> -> memref<80xi32, #tpu.memory_space<vmem>>
        %dma_start3A_225 = tpu.memref_slice %arg2[%multiple_of3A_221] : memref<320000xi32, #tpu.memory_space<hbm>> -> memref<80xi32, #tpu.memory_space<hbm>>
        %dma_start3A_226 = arith.constant 0 : i32
        %dma_start3A_227 = tpu.memref_slice %arg7[%sub3A_172, %dma_start3A_226] : memref<2x80xi32, #tpu.memory_space<vmem>> -> memref<1x80xi32, #tpu.memory_space<vmem>>
        %dma_start3A_228 = tpu.memref_squeeze %dma_start3A_227 : memref<1x80xi32, #tpu.memory_space<vmem>> -> memref<80xi32, #tpu.memory_space<vmem>>
        %dma_start3A_229 = tpu.memref_slice %arg2[%multiple_of3A_221] : memref<320000xi32, #tpu.memory_space<hbm>> -> memref<80xi32, #tpu.memory_space<hbm>>
        tpu.enqueue_dma source(%dma_start3A_229 : memref<80xi32, #tpu.memory_space<hbm>>) target(%dma_start3A_228 : memref<80xi32, #tpu.memory_space<vmem>>) target_semaphore(%arg12 : memref<!tpu.dma_semaphore, #tpu.memory_space<semaphore_mem>>)
        %dma_start3A_230 = arith.constant 0 : i32
        %dma_start3A_231 = tpu.memref_slice %arg8[%sub3A_172, %dma_start3A_230] : memref<2x80xi32, #tpu.memory_space<vmem>> -> memref<1x80xi32, #tpu.memory_space<vmem>>
        %dma_start3A_232 = tpu.memref_squeeze %dma_start3A_231 : memref<1x80xi32, #tpu.memory_space<vmem>> -> memref<80xi32, #tpu.memory_space<vmem>>
        %dma_start3A_233 = tpu.memref_slice %arg3[%multiple_of3A_221] : memref<320000xi32, #tpu.memory_space<hbm>> -> memref<80xi32, #tpu.memory_space<hbm>>
        %dma_start3A_234 = arith.constant 0 : i32
        %dma_start3A_235 = tpu.memref_slice %arg8[%sub3A_172, %dma_start3A_234] : memref<2x80xi32, #tpu.memory_space<vmem>> -> memref<1x80xi32, #tpu.memory_space<vmem>>
        %dma_start3A_236 = tpu.memref_squeeze %dma_start3A_235 : memref<1x80xi32, #tpu.memory_space<vmem>> -> memref<80xi32, #tpu.memory_space<vmem>>
        %dma_start3A_237 = tpu.memref_slice %arg3[%multiple_of3A_221] : memref<320000xi32, #tpu.memory_space<hbm>> -> memref<80xi32, #tpu.memory_space<hbm>>
        tpu.enqueue_dma source(%dma_start3A_237 : memref<80xi32, #tpu.memory_space<hbm>>) target(%dma_start3A_236 : memref<80xi32, #tpu.memory_space<vmem>>) target_semaphore(%arg12 : memref<!tpu.dma_semaphore, #tpu.memory_space<semaphore_mem>>)
      } else {
      }
      %dma_wait3A_191 = arith.constant 0 : i32
      %dma_wait3A_192 = arith.constant 0 : i32
      %dma_wait3A_193 = tpu.memref_slice %arg9[%rem3A_171, %dma_wait3A_191, %dma_wait3A_192] : memref<2x80x128xf32, #tpu.memory_space<vmem>> -> memref<1x80x128xf32, #tpu.memory_space<vmem>>
      %dma_wait3A_194 = tpu.memref_squeeze %dma_wait3A_193 : memref<1x80x128xf32, #tpu.memory_space<vmem>> -> memref<80x128xf32, #tpu.memory_space<vmem>>
      %dma_wait3A_195 = arith.constant 0 : i32
      %dma_wait3A_196 = tpu.memref_slice %arg7[%rem3A_171, %dma_wait3A_195] : memref<2x80xi32, #tpu.memory_space<vmem>> -> memref<1x80xi32, #tpu.memory_space<vmem>>
      %dma_wait3A_197 = tpu.memref_squeeze %dma_wait3A_196 : memref<1x80xi32, #tpu.memory_space<vmem>> -> memref<80xi32, #tpu.memory_space<vmem>>
      %dma_wait3A_198 = arith.constant 0 : i32
      %dma_wait3A_199 = arith.constant 0 : i32
      %dma_wait3A_200 = tpu.memref_slice %arg4[%dma_wait3A_198, %dma_wait3A_199] : memref<10000x128xf32, #tpu.memory_space<hbm>> -> memref<10000x128xf32, #tpu.memory_space<hbm>>
      tpu.wait_indirect_dma semaphore(%arg11 : memref<!tpu.dma_semaphore, #tpu.memory_space<semaphore_mem>>) src(%dma_wait3A_200 : memref<10000x128xf32, #tpu.memory_space<hbm>>) dst(%dma_wait3A_194 : memref<80x128xf32, #tpu.memory_space<vmem>>)
      %dma_start3A_201 = arith.constant 0 : i32
      %dma_start3A_202 = arith.constant 0 : i32
      %dma_start3A_203 = tpu.memref_slice %arg9[%rem3A_171, %dma_start3A_201, %dma_start3A_202] : memref<2x80x128xf32, #tpu.memory_space<vmem>> -> memref<1x80x128xf32, #tpu.memory_space<vmem>>
      %dma_start3A_204 = tpu.memref_squeeze %dma_start3A_203 : memref<1x80x128xf32, #tpu.memory_space<vmem>> -> memref<80x128xf32, #tpu.memory_space<vmem>>
      %dma_start3A_205 = arith.constant 0 : i32
      %dma_start3A_206 = tpu.memref_slice %arg8[%rem3A_171, %dma_start3A_205] : memref<2x80xi32, #tpu.memory_space<vmem>> -> memref<1x80xi32, #tpu.memory_space<vmem>>
      %dma_start3A_207 = tpu.memref_squeeze %dma_start3A_206 : memref<1x80xi32, #tpu.memory_space<vmem>> -> memref<80xi32, #tpu.memory_space<vmem>>
      %dma_start3A_208 = arith.constant 0 : i32
      %dma_start3A_209 = arith.constant 0 : i32
      %dma_start3A_210 = tpu.memref_slice %arg6[%dma_start3A_208, %dma_start3A_209] : memref<10000x128xf32, #tpu.memory_space<vmem_shared>> -> memref<10000x128xf32, #tpu.memory_space<vmem_shared>>
      tpu.enqueue_indirect_dma source(%dma_start3A_204 : memref<80x128xf32, #tpu.memory_space<vmem>>) target(%dma_start3A_210 : memref<10000x128xf32, #tpu.memory_space<vmem_shared>>) offsets(%dma_start3A_207 : memref<80xi32, #tpu.memory_space<vmem>>) semaphore(%arg13 : memref<!tpu.dma_semaphore, #tpu.memory_space<semaphore_mem>>) {add = true}
      %lt3A_211 = arith.constant 124 : i32
      %lt3A_212 = arith.cmpi slt, %scan3A_170, %lt3A_211 : i32
      %convert_element_type3A_213 = arith.extui %lt3A_212 : i1 to i32
      %cond3A_214 = arith.constant 0 : i32
      %cond3A_215 = arith.cmpi ne, %convert_element_type3A_213, %cond3A_214 : i32
      scf.if %cond3A_215 {
        %add3A_216 = arith.constant 1 : i32
        %add3A_217 = arith.addi %scan3A_170, %add3A_216 : i32
        %mul3A_218 = arith.constant 80 : i32
        %mul3A_219 = arith.muli %add3A_217, %mul3A_218 : i32
        %add3A_220 = arith.addi %mul3A_75, %mul3A_219 : i32
        %multiple_of3A_221 = tpu.assume_multiple %add3A_220, 80 : i32
        %dma_wait3A_222 = arith.constant 0 : i32
        %dma_wait3A_223 = tpu.memref_slice %arg7[%sub3A_172, %dma_wait3A_222] : memref<2x80xi32, #tpu.memory_space<vmem>> -> memref<1x80xi32, #tpu.memory_space<vmem>>
        %dma_wait3A_224 = tpu.memref_squeeze %dma_wait3A_223 : memref<1x80xi32, #tpu.memory_space<vmem>> -> memref<80xi32, #tpu.memory_space<vmem>>
        %dma_wait3A_225 = tpu.memref_slice %arg2[%multiple_of3A_221] : memref<320000xi32, #tpu.memory_space<hbm>> -> memref<80xi32, #tpu.memory_space<hbm>>
        %dma_wait3A_226 = arith.constant 0 : i32
        %dma_wait3A_227 = tpu.memref_slice %arg7[%sub3A_172, %dma_wait3A_226] : memref<2x80xi32, #tpu.memory_space<vmem>> -> memref<1x80xi32, #tpu.memory_space<vmem>>
        %dma_wait3A_228 = tpu.memref_squeeze %dma_wait3A_227 : memref<1x80xi32, #tpu.memory_space<vmem>> -> memref<80xi32, #tpu.memory_space<vmem>>
        %dma_wait3A_229 = tpu.memref_slice %arg2[%multiple_of3A_221] : memref<320000xi32, #tpu.memory_space<hbm>> -> memref<80xi32, #tpu.memory_space<hbm>>
        tpu.wait_dma2 semaphore(%arg12 : memref<!tpu.dma_semaphore, #tpu.memory_space<semaphore_mem>>) src(%dma_wait3A_229 : memref<80xi32, #tpu.memory_space<hbm>>) dst(%dma_wait3A_228 : memref<80xi32, #tpu.memory_space<vmem>>)
        %dma_wait3A_230 = arith.constant 0 : i32
        %dma_wait3A_231 = tpu.memref_slice %arg8[%sub3A_172, %dma_wait3A_230] : memref<2x80xi32, #tpu.memory_space<vmem>> -> memref<1x80xi32, #tpu.memory_space<vmem>>
        %dma_wait3A_232 = tpu.memref_squeeze %dma_wait3A_231 : memref<1x80xi32, #tpu.memory_space<vmem>> -> memref<80xi32, #tpu.memory_space<vmem>>
        %dma_wait3A_233 = tpu.memref_slice %arg3[%multiple_of3A_221] : memref<320000xi32, #tpu.memory_space<hbm>> -> memref<80xi32, #tpu.memory_space<hbm>>
        %dma_wait3A_234 = arith.constant 0 : i32
        %dma_wait3A_235 = tpu.memref_slice %arg8[%sub3A_172, %dma_wait3A_234] : memref<2x80xi32, #tpu.memory_space<vmem>> -> memref<1x80xi32, #tpu.memory_space<vmem>>
        %dma_wait3A_236 = tpu.memref_squeeze %dma_wait3A_235 : memref<1x80xi32, #tpu.memory_space<vmem>> -> memref<80xi32, #tpu.memory_space<vmem>>
        %dma_wait3A_237 = tpu.memref_slice %arg3[%multiple_of3A_221] : memref<320000xi32, #tpu.memory_space<hbm>> -> memref<80xi32, #tpu.memory_space<hbm>>
        tpu.wait_dma2 semaphore(%arg12 : memref<!tpu.dma_semaphore, #tpu.memory_space<semaphore_mem>>) src(%dma_wait3A_237 : memref<80xi32, #tpu.memory_space<hbm>>) dst(%dma_wait3A_236 : memref<80xi32, #tpu.memory_space<vmem>>)
      } else {
      }
    }
    %scan3A_82 = arith.constant 125 : i32
    %dma_wait3A = arith.constant 0 : i32
    %dma_wait3A_83 = arith.constant 0 : i32
    %dma_wait3A_84 = arith.constant 0 : i32
    %dma_wait3A_85 = tpu.memref_slice %arg9[%dma_wait3A, %dma_wait3A_83, %dma_wait3A_84] : memref<2x80x128xf32, #tpu.memory_space<vmem>> -> memref<1x80x128xf32, #tpu.memory_space<vmem>>
    %dma_wait3A_86 = tpu.memref_squeeze %dma_wait3A_85 : memref<1x80x128xf32, #tpu.memory_space<vmem>> -> memref<80x128xf32, #tpu.memory_space<vmem>>
    %dma_wait3A_87 = arith.constant 0 : i32
    %dma_wait3A_88 = arith.constant 0 : i32
    %dma_wait3A_89 = tpu.memref_slice %arg4[%dma_wait3A_87, %dma_wait3A_88] : memref<10000x128xf32, #tpu.memory_space<hbm>> -> memref<80x128xf32, #tpu.memory_space<hbm>>
    %dma_wait3A_90 = arith.constant 0 : i32
    %dma_wait3A_91 = arith.constant 0 : i32
    %dma_wait3A_92 = tpu.memref_slice %arg9[%dma_wait3A, %dma_wait3A_90, %dma_wait3A_91] : memref<2x80x128xf32, #tpu.memory_space<vmem>> -> memref<1x80x128xf32, #tpu.memory_space<vmem>>
    %dma_wait3A_93 = tpu.memref_squeeze %dma_wait3A_92 : memref<1x80x128xf32, #tpu.memory_space<vmem>> -> memref<80x128xf32, #tpu.memory_space<vmem>>
    %dma_wait3A_94 = arith.constant 0 : i32
    %dma_wait3A_95 = arith.constant 0 : i32
    %dma_wait3A_96 = tpu.memref_slice %arg4[%dma_wait3A_94, %dma_wait3A_95] : memref<10000x128xf32, #tpu.memory_space<hbm>> -> memref<80x128xf32, #tpu.memory_space<hbm>>
    tpu.wait_dma2 semaphore(%arg13 : memref<!tpu.dma_semaphore, #tpu.memory_space<semaphore_mem>>) src(%dma_wait3A_96 : memref<80x128xf32, #tpu.memory_space<hbm>>) dst(%dma_wait3A_93 : memref<80x128xf32, #tpu.memory_space<vmem>>)
    %barrier3A_97 = arith.constant 0 : index
    tpu.barrier barrier_id(%barrier3A_97)
    %mul3A_98 = arith.constant 8 : i32
    %mul3A_99 = arith.muli %arg1, %mul3A_98 : i32
    %add3A_100 = arith.constant 0 : i32
    %add3A_101 = arith.addi %mul3A_99, %add3A_100 : i32
    %lt3A_102 = arith.constant 125 : i32
    %lt3A_103 = arith.cmpi slt, %add3A_101, %lt3A_102 : i32
    %convert_element_type3A_104 = arith.extui %lt3A_103 : i1 to i32
    %cond3A_105 = arith.constant 0 : i32
    %cond3A_106 = arith.cmpi ne, %convert_element_type3A_104, %cond3A_105 : i32
    scf.if %cond3A_106 {
      %mul3A_170 = arith.constant 80 : i32
      %mul3A_171 = arith.muli %add3A_101, %mul3A_170 : i32
      %multiple_of3A_172 = tpu.assume_multiple %mul3A_171, 80 : i32
      "tpu.region"() ({
        %run_scoped3A_173 = tpu.sem_alloc : memref<!tpu.dma_semaphore, #tpu.memory_space<semaphore_mem>>
        %dma_start3A = arith.constant 0 : i32
        %dma_start3A_174 = tpu.memref_slice %arg6[%multiple_of3A_172, %dma_start3A] : memref<10000x128xf32, #tpu.memory_space<vmem_shared>> -> memref<80x128xf32, #tpu.memory_space<vmem_shared>>
        %dma_start3A_175 = arith.constant 0 : i32
        %dma_start3A_176 = tpu.memref_slice %arg6[%multiple_of3A_172, %dma_start3A_175] : memref<10000x128xf32, #tpu.memory_space<vmem_shared>> -> memref<80x128xf32, #tpu.memory_space<vmem_shared>>
        tpu.enqueue_dma source(%dma_start3A_176 : memref<80x128xf32, #tpu.memory_space<vmem_shared>>) target(%arg10 : memref<80x128xf32, #tpu.memory_space<vmem>>) target_semaphore(%run_scoped3A_173 : memref<!tpu.dma_semaphore, #tpu.memory_space<semaphore_mem>>)
        %dma_wait3A_177 = arith.constant 0 : i32
        %dma_wait3A_178 = tpu.memref_slice %arg6[%multiple_of3A_172, %dma_wait3A_177] : memref<10000x128xf32, #tpu.memory_space<vmem_shared>> -> memref<80x128xf32, #tpu.memory_space<vmem_shared>>
        %dma_wait3A_179 = arith.constant 0 : i32
        %dma_wait3A_180 = tpu.memref_slice %arg6[%multiple_of3A_172, %dma_wait3A_179] : memref<10000x128xf32, #tpu.memory_space<vmem_shared>> -> memref<80x128xf32, #tpu.memory_space<vmem_shared>>
        tpu.wait_dma2 semaphore(%run_scoped3A_173 : memref<!tpu.dma_semaphore, #tpu.memory_space<semaphore_mem>>) src(%dma_wait3A_180 : memref<80x128xf32, #tpu.memory_space<vmem_shared>>) dst(%arg10 : memref<80x128xf32, #tpu.memory_space<vmem>>)
        tpu.yield
      }) : () -> ()
      "tpu.region"() ({
        %run_scoped3A_173 = tpu.sem_alloc : memref<!tpu.dma_semaphore, #tpu.memory_space<semaphore_mem>>
        %dma_start3A = arith.constant 0 : i32
        %dma_start3A_174 = tpu.memref_slice %arg5[%arg0, %multiple_of3A_172, %dma_start3A] : memref<2x10000x128xf32, #tpu.memory_space<hbm>> -> memref<1x80x128xf32, #tpu.memory_space<hbm>>
        %dma_start3A_175 = tpu.memref_squeeze %dma_start3A_174 : memref<1x80x128xf32, #tpu.memory_space<hbm>> -> memref<80x128xf32, #tpu.memory_space<hbm>>
        %dma_start3A_176 = arith.constant 0 : i32
        %dma_start3A_177 = tpu.memref_slice %arg5[%arg0, %multiple_of3A_172, %dma_start3A_176] : memref<2x10000x128xf32, #tpu.memory_space<hbm>> -> memref<1x80x128xf32, #tpu.memory_space<hbm>>
        %dma_start3A_178 = tpu.memref_squeeze %dma_start3A_177 : memref<1x80x128xf32, #tpu.memory_space<hbm>> -> memref<80x128xf32, #tpu.memory_space<hbm>>
        tpu.enqueue_dma source(%arg10 : memref<80x128xf32, #tpu.memory_space<vmem>>) target(%dma_start3A_178 : memref<80x128xf32, #tpu.memory_space<hbm>>) target_semaphore(%run_scoped3A_173 : memref<!tpu.dma_semaphore, #tpu.memory_space<semaphore_mem>>)
        %dma_wait3A_179 = arith.constant 0 : i32
        %dma_wait3A_180 = tpu.memref_slice %arg5[%arg0, %multiple_of3A_172, %dma_wait3A_179] : memref<2x10000x128xf32, #tpu.memory_space<hbm>> -> memref<1x80x128xf32, #tpu.memory_space<hbm>>
        %dma_wait3A_181 = tpu.memref_squeeze %dma_wait3A_180 : memref<1x80x128xf32, #tpu.memory_space<hbm>> -> memref<80x128xf32, #tpu.memory_space<hbm>>
        %dma_wait3A_182 = arith.constant 0 : i32
        %dma_wait3A_183 = tpu.memref_slice %arg5[%arg0, %multiple_of3A_172, %dma_wait3A_182] : memref<2x10000x128xf32, #tpu.memory_space<hbm>> -> memref<1x80x128xf32, #tpu.memory_space<hbm>>
        %dma_wait3A_184 = tpu.memref_squeeze %dma_wait3A_183 : memref<1x80x128xf32, #tpu.memory_space<hbm>> -> memref<80x128xf32, #tpu.memory_space<hbm>>
        tpu.wait_dma2 semaphore(%run_scoped3A_173 : memref<!tpu.dma_semaphore, #tpu.memory_space<semaphore_mem>>) src(%arg10 : memref<80x128xf32, #tpu.memory_space<vmem>>) dst(%dma_wait3A_184 : memref<80x128xf32, #tpu.memory_space<hbm>>)
        tpu.yield
      }) : () -> ()
    } else {
    }
    %mul3A_107 = arith.constant 8 : i32
    %mul3A_108 = arith.muli %arg1, %mul3A_107 : i32
    %add3A_109 = arith.constant 1 : i32
    %add3A_110 = arith.addi %mul3A_108, %add3A_109 : i32
    %lt3A_111 = arith.constant 125 : i32
    %lt3A_112 = arith.cmpi slt, %add3A_110, %lt3A_111 : i32
    %convert_element_type3A_113 = arith.extui %lt3A_112 : i1 to i32
    %cond3A_114 = arith.constant 0 : i32
    %cond3A_115 = arith.cmpi ne, %convert_element_type3A_113, %cond3A_114 : i32
    scf.if %cond3A_115 {
      %mul3A_170 = arith.constant 80 : i32
      %mul3A_171 = arith.muli %add3A_110, %mul3A_170 : i32
      %multiple_of3A_172 = tpu.assume_multiple %mul3A_171, 80 : i32
      "tpu.region"() ({
        %run_scoped3A_173 = tpu.sem_alloc : memref<!tpu.dma_semaphore, #tpu.memory_space<semaphore_mem>>
        %dma_start3A = arith.constant 0 : i32
        %dma_start3A_174 = tpu.memref_slice %arg6[%multiple_of3A_172, %dma_start3A] : memref<10000x128xf32, #tpu.memory_space<vmem_shared>> -> memref<80x128xf32, #tpu.memory_space<vmem_shared>>
        %dma_start3A_175 = arith.constant 0 : i32
        %dma_start3A_176 = tpu.memref_slice %arg6[%multiple_of3A_172, %dma_start3A_175] : memref<10000x128xf32, #tpu.memory_space<vmem_shared>> -> memref<80x128xf32, #tpu.memory_space<vmem_shared>>
        tpu.enqueue_dma source(%dma_start3A_176 : memref<80x128xf32, #tpu.memory_space<vmem_shared>>) target(%arg10 : memref<80x128xf32, #tpu.memory_space<vmem>>) target_semaphore(%run_scoped3A_173 : memref<!tpu.dma_semaphore, #tpu.memory_space<semaphore_mem>>)
        %dma_wait3A_177 = arith.constant 0 : i32
        %dma_wait3A_178 = tpu.memref_slice %arg6[%multiple_of3A_172, %dma_wait3A_177] : memref<10000x128xf32, #tpu.memory_space<vmem_shared>> -> memref<80x128xf32, #tpu.memory_space<vmem_shared>>
        %dma_wait3A_179 = arith.constant 0 : i32
        %dma_wait3A_180 = tpu.memref_slice %arg6[%multiple_of3A_172, %dma_wait3A_179] : memref<10000x128xf32, #tpu.memory_space<vmem_shared>> -> memref<80x128xf32, #tpu.memory_space<vmem_shared>>
        tpu.wait_dma2 semaphore(%run_scoped3A_173 : memref<!tpu.dma_semaphore, #tpu.memory_space<semaphore_mem>>) src(%dma_wait3A_180 : memref<80x128xf32, #tpu.memory_space<vmem_shared>>) dst(%arg10 : memref<80x128xf32, #tpu.memory_space<vmem>>)
        tpu.yield
      }) : () -> ()
      "tpu.region"() ({
        %run_scoped3A_173 = tpu.sem_alloc : memref<!tpu.dma_semaphore, #tpu.memory_space<semaphore_mem>>
        %dma_start3A = arith.constant 0 : i32
        %dma_start3A_174 = tpu.memref_slice %arg5[%arg0, %multiple_of3A_172, %dma_start3A] : memref<2x10000x128xf32, #tpu.memory_space<hbm>> -> memref<1x80x128xf32, #tpu.memory_space<hbm>>
        %dma_start3A_175 = tpu.memref_squeeze %dma_start3A_174 : memref<1x80x128xf32, #tpu.memory_space<hbm>> -> memref<80x128xf32, #tpu.memory_space<hbm>>
        %dma_start3A_176 = arith.constant 0 : i32
        %dma_start3A_177 = tpu.memref_slice %arg5[%arg0, %multiple_of3A_172, %dma_start3A_176] : memref<2x10000x128xf32, #tpu.memory_space<hbm>> -> memref<1x80x128xf32, #tpu.memory_space<hbm>>
        %dma_start3A_178 = tpu.memref_squeeze %dma_start3A_177 : memref<1x80x128xf32, #tpu.memory_space<hbm>> -> memref<80x128xf32, #tpu.memory_space<hbm>>
        tpu.enqueue_dma source(%arg10 : memref<80x128xf32, #tpu.memory_space<vmem>>) target(%dma_start3A_178 : memref<80x128xf32, #tpu.memory_space<hbm>>) target_semaphore(%run_scoped3A_173 : memref<!tpu.dma_semaphore, #tpu.memory_space<semaphore_mem>>)
        %dma_wait3A_179 = arith.constant 0 : i32
        %dma_wait3A_180 = tpu.memref_slice %arg5[%arg0, %multiple_of3A_172, %dma_wait3A_179] : memref<2x10000x128xf32, #tpu.memory_space<hbm>> -> memref<1x80x128xf32, #tpu.memory_space<hbm>>
        %dma_wait3A_181 = tpu.memref_squeeze %dma_wait3A_180 : memref<1x80x128xf32, #tpu.memory_space<hbm>> -> memref<80x128xf32, #tpu.memory_space<hbm>>
        %dma_wait3A_182 = arith.constant 0 : i32
        %dma_wait3A_183 = tpu.memref_slice %arg5[%arg0, %multiple_of3A_172, %dma_wait3A_182] : memref<2x10000x128xf32, #tpu.memory_space<hbm>> -> memref<1x80x128xf32, #tpu.memory_space<hbm>>
        %dma_wait3A_184 = tpu.memref_squeeze %dma_wait3A_183 : memref<1x80x128xf32, #tpu.memory_space<hbm>> -> memref<80x128xf32, #tpu.memory_space<hbm>>
        tpu.wait_dma2 semaphore(%run_scoped3A_173 : memref<!tpu.dma_semaphore, #tpu.memory_space<semaphore_mem>>) src(%arg10 : memref<80x128xf32, #tpu.memory_space<vmem>>) dst(%dma_wait3A_184 : memref<80x128xf32, #tpu.memory_space<hbm>>)
        tpu.yield
      }) : () -> ()
    } else {
    }
    %mul3A_116 = arith.constant 8 : i32
    %mul3A_117 = arith.muli %arg1, %mul3A_116 : i32
    %add3A_118 = arith.constant 2 : i32
    %add3A_119 = arith.addi %mul3A_117, %add3A_118 : i32
    %lt3A_120 = arith.constant 125 : i32
    %lt3A_121 = arith.cmpi slt, %add3A_119, %lt3A_120 : i32
    %convert_element_type3A_122 = arith.extui %lt3A_121 : i1 to i32
    %cond3A_123 = arith.constant 0 : i32
    %cond3A_124 = arith.cmpi ne, %convert_element_type3A_122, %cond3A_123 : i32
    scf.if %cond3A_124 {
      %mul3A_170 = arith.constant 80 : i32
      %mul3A_171 = arith.muli %add3A_119, %mul3A_170 : i32
      %multiple_of3A_172 = tpu.assume_multiple %mul3A_171, 80 : i32
      "tpu.region"() ({
        %run_scoped3A_173 = tpu.sem_alloc : memref<!tpu.dma_semaphore, #tpu.memory_space<semaphore_mem>>
        %dma_start3A = arith.constant 0 : i32
        %dma_start3A_174 = tpu.memref_slice %arg6[%multiple_of3A_172, %dma_start3A] : memref<10000x128xf32, #tpu.memory_space<vmem_shared>> -> memref<80x128xf32, #tpu.memory_space<vmem_shared>>
        %dma_start3A_175 = arith.constant 0 : i32
        %dma_start3A_176 = tpu.memref_slice %arg6[%multiple_of3A_172, %dma_start3A_175] : memref<10000x128xf32, #tpu.memory_space<vmem_shared>> -> memref<80x128xf32, #tpu.memory_space<vmem_shared>>
        tpu.enqueue_dma source(%dma_start3A_176 : memref<80x128xf32, #tpu.memory_space<vmem_shared>>) target(%arg10 : memref<80x128xf32, #tpu.memory_space<vmem>>) target_semaphore(%run_scoped3A_173 : memref<!tpu.dma_semaphore, #tpu.memory_space<semaphore_mem>>)
        %dma_wait3A_177 = arith.constant 0 : i32
        %dma_wait3A_178 = tpu.memref_slice %arg6[%multiple_of3A_172, %dma_wait3A_177] : memref<10000x128xf32, #tpu.memory_space<vmem_shared>> -> memref<80x128xf32, #tpu.memory_space<vmem_shared>>
        %dma_wait3A_179 = arith.constant 0 : i32
        %dma_wait3A_180 = tpu.memref_slice %arg6[%multiple_of3A_172, %dma_wait3A_179] : memref<10000x128xf32, #tpu.memory_space<vmem_shared>> -> memref<80x128xf32, #tpu.memory_space<vmem_shared>>
        tpu.wait_dma2 semaphore(%run_scoped3A_173 : memref<!tpu.dma_semaphore, #tpu.memory_space<semaphore_mem>>) src(%dma_wait3A_180 : memref<80x128xf32, #tpu.memory_space<vmem_shared>>) dst(%arg10 : memref<80x128xf32, #tpu.memory_space<vmem>>)
        tpu.yield
      }) : () -> ()
      "tpu.region"() ({
        %run_scoped3A_173 = tpu.sem_alloc : memref<!tpu.dma_semaphore, #tpu.memory_space<semaphore_mem>>
        %dma_start3A = arith.constant 0 : i32
        %dma_start3A_174 = tpu.memref_slice %arg5[%arg0, %multiple_of3A_172, %dma_start3A] : memref<2x10000x128xf32, #tpu.memory_space<hbm>> -> memref<1x80x128xf32, #tpu.memory_space<hbm>>
        %dma_start3A_175 = tpu.memref_squeeze %dma_start3A_174 : memref<1x80x128xf32, #tpu.memory_space<hbm>> -> memref<80x128xf32, #tpu.memory_space<hbm>>
        %dma_start3A_176 = arith.constant 0 : i32
        %dma_start3A_177 = tpu.memref_slice %arg5[%arg0, %multiple_of3A_172, %dma_start3A_176] : memref<2x10000x128xf32, #tpu.memory_space<hbm>> -> memref<1x80x128xf32, #tpu.memory_space<hbm>>
        %dma_start3A_178 = tpu.memref_squeeze %dma_start3A_177 : memref<1x80x128xf32, #tpu.memory_space<hbm>> -> memref<80x128xf32, #tpu.memory_space<hbm>>
        tpu.enqueue_dma source(%arg10 : memref<80x128xf32, #tpu.memory_space<vmem>>) target(%dma_start3A_178 : memref<80x128xf32, #tpu.memory_space<hbm>>) target_semaphore(%run_scoped3A_173 : memref<!tpu.dma_semaphore, #tpu.memory_space<semaphore_mem>>)
        %dma_wait3A_179 = arith.constant 0 : i32
        %dma_wait3A_180 = tpu.memref_slice %arg5[%arg0, %multiple_of3A_172, %dma_wait3A_179] : memref<2x10000x128xf32, #tpu.memory_space<hbm>> -> memref<1x80x128xf32, #tpu.memory_space<hbm>>
        %dma_wait3A_181 = tpu.memref_squeeze %dma_wait3A_180 : memref<1x80x128xf32, #tpu.memory_space<hbm>> -> memref<80x128xf32, #tpu.memory_space<hbm>>
        %dma_wait3A_182 = arith.constant 0 : i32
        %dma_wait3A_183 = tpu.memref_slice %arg5[%arg0, %multiple_of3A_172, %dma_wait3A_182] : memref<2x10000x128xf32, #tpu.memory_space<hbm>> -> memref<1x80x128xf32, #tpu.memory_space<hbm>>
        %dma_wait3A_184 = tpu.memref_squeeze %dma_wait3A_183 : memref<1x80x128xf32, #tpu.memory_space<hbm>> -> memref<80x128xf32, #tpu.memory_space<hbm>>
        tpu.wait_dma2 semaphore(%run_scoped3A_173 : memref<!tpu.dma_semaphore, #tpu.memory_space<semaphore_mem>>) src(%arg10 : memref<80x128xf32, #tpu.memory_space<vmem>>) dst(%dma_wait3A_184 : memref<80x128xf32, #tpu.memory_space<hbm>>)
        tpu.yield
      }) : () -> ()
    } else {
    }
    %mul3A_125 = arith.constant 8 : i32
    %mul3A_126 = arith.muli %arg1, %mul3A_125 : i32
    %add3A_127 = arith.constant 3 : i32
    %add3A_128 = arith.addi %mul3A_126, %add3A_127 : i32
    %lt3A_129 = arith.constant 125 : i32
    %lt3A_130 = arith.cmpi slt, %add3A_128, %lt3A_129 : i32
    %convert_element_type3A_131 = arith.extui %lt3A_130 : i1 to i32
    %cond3A_132 = arith.constant 0 : i32
    %cond3A_133 = arith.cmpi ne, %convert_element_type3A_131, %cond3A_132 : i32
    scf.if %cond3A_133 {
      %mul3A_170 = arith.constant 80 : i32
      %mul3A_171 = arith.muli %add3A_128, %mul3A_170 : i32
      %multiple_of3A_172 = tpu.assume_multiple %mul3A_171, 80 : i32
      "tpu.region"() ({
        %run_scoped3A_173 = tpu.sem_alloc : memref<!tpu.dma_semaphore, #tpu.memory_space<semaphore_mem>>
        %dma_start3A = arith.constant 0 : i32
        %dma_start3A_174 = tpu.memref_slice %arg6[%multiple_of3A_172, %dma_start3A] : memref<10000x128xf32, #tpu.memory_space<vmem_shared>> -> memref<80x128xf32, #tpu.memory_space<vmem_shared>>
        %dma_start3A_175 = arith.constant 0 : i32
        %dma_start3A_176 = tpu.memref_slice %arg6[%multiple_of3A_172, %dma_start3A_175] : memref<10000x128xf32, #tpu.memory_space<vmem_shared>> -> memref<80x128xf32, #tpu.memory_space<vmem_shared>>
        tpu.enqueue_dma source(%dma_start3A_176 : memref<80x128xf32, #tpu.memory_space<vmem_shared>>) target(%arg10 : memref<80x128xf32, #tpu.memory_space<vmem>>) target_semaphore(%run_scoped3A_173 : memref<!tpu.dma_semaphore, #tpu.memory_space<semaphore_mem>>)
        %dma_wait3A_177 = arith.constant 0 : i32
        %dma_wait3A_178 = tpu.memref_slice %arg6[%multiple_of3A_172, %dma_wait3A_177] : memref<10000x128xf32, #tpu.memory_space<vmem_shared>> -> memref<80x128xf32, #tpu.memory_space<vmem_shared>>
        %dma_wait3A_179 = arith.constant 0 : i32
        %dma_wait3A_180 = tpu.memref_slice %arg6[%multiple_of3A_172, %dma_wait3A_179] : memref<10000x128xf32, #tpu.memory_space<vmem_shared>> -> memref<80x128xf32, #tpu.memory_space<vmem_shared>>
        tpu.wait_dma2 semaphore(%run_scoped3A_173 : memref<!tpu.dma_semaphore, #tpu.memory_space<semaphore_mem>>) src(%dma_wait3A_180 : memref<80x128xf32, #tpu.memory_space<vmem_shared>>) dst(%arg10 : memref<80x128xf32, #tpu.memory_space<vmem>>)
        tpu.yield
      }) : () -> ()
      "tpu.region"() ({
        %run_scoped3A_173 = tpu.sem_alloc : memref<!tpu.dma_semaphore, #tpu.memory_space<semaphore_mem>>
        %dma_start3A = arith.constant 0 : i32
        %dma_start3A_174 = tpu.memref_slice %arg5[%arg0, %multiple_of3A_172, %dma_start3A] : memref<2x10000x128xf32, #tpu.memory_space<hbm>> -> memref<1x80x128xf32, #tpu.memory_space<hbm>>
        %dma_start3A_175 = tpu.memref_squeeze %dma_start3A_174 : memref<1x80x128xf32, #tpu.memory_space<hbm>> -> memref<80x128xf32, #tpu.memory_space<hbm>>
        %dma_start3A_176 = arith.constant 0 : i32
        %dma_start3A_177 = tpu.memref_slice %arg5[%arg0, %multiple_of3A_172, %dma_start3A_176] : memref<2x10000x128xf32, #tpu.memory_space<hbm>> -> memref<1x80x128xf32, #tpu.memory_space<hbm>>
        %dma_start3A_178 = tpu.memref_squeeze %dma_start3A_177 : memref<1x80x128xf32, #tpu.memory_space<hbm>> -> memref<80x128xf32, #tpu.memory_space<hbm>>
        tpu.enqueue_dma source(%arg10 : memref<80x128xf32, #tpu.memory_space<vmem>>) target(%dma_start3A_178 : memref<80x128xf32, #tpu.memory_space<hbm>>) target_semaphore(%run_scoped3A_173 : memref<!tpu.dma_semaphore, #tpu.memory_space<semaphore_mem>>)
        %dma_wait3A_179 = arith.constant 0 : i32
        %dma_wait3A_180 = tpu.memref_slice %arg5[%arg0, %multiple_of3A_172, %dma_wait3A_179] : memref<2x10000x128xf32, #tpu.memory_space<hbm>> -> memref<1x80x128xf32, #tpu.memory_space<hbm>>
        %dma_wait3A_181 = tpu.memref_squeeze %dma_wait3A_180 : memref<1x80x128xf32, #tpu.memory_space<hbm>> -> memref<80x128xf32, #tpu.memory_space<hbm>>
        %dma_wait3A_182 = arith.constant 0 : i32
        %dma_wait3A_183 = tpu.memref_slice %arg5[%arg0, %multiple_of3A_172, %dma_wait3A_182] : memref<2x10000x128xf32, #tpu.memory_space<hbm>> -> memref<1x80x128xf32, #tpu.memory_space<hbm>>
        %dma_wait3A_184 = tpu.memref_squeeze %dma_wait3A_183 : memref<1x80x128xf32, #tpu.memory_space<hbm>> -> memref<80x128xf32, #tpu.memory_space<hbm>>
        tpu.wait_dma2 semaphore(%run_scoped3A_173 : memref<!tpu.dma_semaphore, #tpu.memory_space<semaphore_mem>>) src(%arg10 : memref<80x128xf32, #tpu.memory_space<vmem>>) dst(%dma_wait3A_184 : memref<80x128xf32, #tpu.memory_space<hbm>>)
        tpu.yield
      }) : () -> ()
    } else {
    }
    %mul3A_134 = arith.constant 8 : i32
    %mul3A_135 = arith.muli %arg1, %mul3A_134 : i32
    %add3A_136 = arith.constant 4 : i32
    %add3A_137 = arith.addi %mul3A_135, %add3A_136 : i32
    %lt3A_138 = arith.constant 125 : i32
    %lt3A_139 = arith.cmpi slt, %add3A_137, %lt3A_138 : i32
    %convert_element_type3A_140 = arith.extui %lt3A_139 : i1 to i32
    %cond3A_141 = arith.constant 0 : i32
    %cond3A_142 = arith.cmpi ne, %convert_element_type3A_140, %cond3A_141 : i32
    scf.if %cond3A_142 {
      %mul3A_170 = arith.constant 80 : i32
      %mul3A_171 = arith.muli %add3A_137, %mul3A_170 : i32
      %multiple_of3A_172 = tpu.assume_multiple %mul3A_171, 80 : i32
      "tpu.region"() ({
        %run_scoped3A_173 = tpu.sem_alloc : memref<!tpu.dma_semaphore, #tpu.memory_space<semaphore_mem>>
        %dma_start3A = arith.constant 0 : i32
        %dma_start3A_174 = tpu.memref_slice %arg6[%multiple_of3A_172, %dma_start3A] : memref<10000x128xf32, #tpu.memory_space<vmem_shared>> -> memref<80x128xf32, #tpu.memory_space<vmem_shared>>
        %dma_start3A_175 = arith.constant 0 : i32
        %dma_start3A_176 = tpu.memref_slice %arg6[%multiple_of3A_172, %dma_start3A_175] : memref<10000x128xf32, #tpu.memory_space<vmem_shared>> -> memref<80x128xf32, #tpu.memory_space<vmem_shared>>
        tpu.enqueue_dma source(%dma_start3A_176 : memref<80x128xf32, #tpu.memory_space<vmem_shared>>) target(%arg10 : memref<80x128xf32, #tpu.memory_space<vmem>>) target_semaphore(%run_scoped3A_173 : memref<!tpu.dma_semaphore, #tpu.memory_space<semaphore_mem>>)
        %dma_wait3A_177 = arith.constant 0 : i32
        %dma_wait3A_178 = tpu.memref_slice %arg6[%multiple_of3A_172, %dma_wait3A_177] : memref<10000x128xf32, #tpu.memory_space<vmem_shared>> -> memref<80x128xf32, #tpu.memory_space<vmem_shared>>
        %dma_wait3A_179 = arith.constant 0 : i32
        %dma_wait3A_180 = tpu.memref_slice %arg6[%multiple_of3A_172, %dma_wait3A_179] : memref<10000x128xf32, #tpu.memory_space<vmem_shared>> -> memref<80x128xf32, #tpu.memory_space<vmem_shared>>
        tpu.wait_dma2 semaphore(%run_scoped3A_173 : memref<!tpu.dma_semaphore, #tpu.memory_space<semaphore_mem>>) src(%dma_wait3A_180 : memref<80x128xf32, #tpu.memory_space<vmem_shared>>) dst(%arg10 : memref<80x128xf32, #tpu.memory_space<vmem>>)
        tpu.yield
      }) : () -> ()
      "tpu.region"() ({
        %run_scoped3A_173 = tpu.sem_alloc : memref<!tpu.dma_semaphore, #tpu.memory_space<semaphore_mem>>
        %dma_start3A = arith.constant 0 : i32
        %dma_start3A_174 = tpu.memref_slice %arg5[%arg0, %multiple_of3A_172, %dma_start3A] : memref<2x10000x128xf32, #tpu.memory_space<hbm>> -> memref<1x80x128xf32, #tpu.memory_space<hbm>>
        %dma_start3A_175 = tpu.memref_squeeze %dma_start3A_174 : memref<1x80x128xf32, #tpu.memory_space<hbm>> -> memref<80x128xf32, #tpu.memory_space<hbm>>
        %dma_start3A_176 = arith.constant 0 : i32
        %dma_start3A_177 = tpu.memref_slice %arg5[%arg0, %multiple_of3A_172, %dma_start3A_176] : memref<2x10000x128xf32, #tpu.memory_space<hbm>> -> memref<1x80x128xf32, #tpu.memory_space<hbm>>
        %dma_start3A_178 = tpu.memref_squeeze %dma_start3A_177 : memref<1x80x128xf32, #tpu.memory_space<hbm>> -> memref<80x128xf32, #tpu.memory_space<hbm>>
        tpu.enqueue_dma source(%arg10 : memref<80x128xf32, #tpu.memory_space<vmem>>) target(%dma_start3A_178 : memref<80x128xf32, #tpu.memory_space<hbm>>) target_semaphore(%run_scoped3A_173 : memref<!tpu.dma_semaphore, #tpu.memory_space<semaphore_mem>>)
        %dma_wait3A_179 = arith.constant 0 : i32
        %dma_wait3A_180 = tpu.memref_slice %arg5[%arg0, %multiple_of3A_172, %dma_wait3A_179] : memref<2x10000x128xf32, #tpu.memory_space<hbm>> -> memref<1x80x128xf32, #tpu.memory_space<hbm>>
        %dma_wait3A_181 = tpu.memref_squeeze %dma_wait3A_180 : memref<1x80x128xf32, #tpu.memory_space<hbm>> -> memref<80x128xf32, #tpu.memory_space<hbm>>
        %dma_wait3A_182 = arith.constant 0 : i32
        %dma_wait3A_183 = tpu.memref_slice %arg5[%arg0, %multiple_of3A_172, %dma_wait3A_182] : memref<2x10000x128xf32, #tpu.memory_space<hbm>> -> memref<1x80x128xf32, #tpu.memory_space<hbm>>
        %dma_wait3A_184 = tpu.memref_squeeze %dma_wait3A_183 : memref<1x80x128xf32, #tpu.memory_space<hbm>> -> memref<80x128xf32, #tpu.memory_space<hbm>>
        tpu.wait_dma2 semaphore(%run_scoped3A_173 : memref<!tpu.dma_semaphore, #tpu.memory_space<semaphore_mem>>) src(%arg10 : memref<80x128xf32, #tpu.memory_space<vmem>>) dst(%dma_wait3A_184 : memref<80x128xf32, #tpu.memory_space<hbm>>)
        tpu.yield
      }) : () -> ()
    } else {
    }
    %mul3A_143 = arith.constant 8 : i32
    %mul3A_144 = arith.muli %arg1, %mul3A_143 : i32
    %add3A_145 = arith.constant 5 : i32
    %add3A_146 = arith.addi %mul3A_144, %add3A_145 : i32
    %lt3A_147 = arith.constant 125 : i32
    %lt3A_148 = arith.cmpi slt, %add3A_146, %lt3A_147 : i32
    %convert_element_type3A_149 = arith.extui %lt3A_148 : i1 to i32
    %cond3A_150 = arith.constant 0 : i32
    %cond3A_151 = arith.cmpi ne, %convert_element_type3A_149, %cond3A_150 : i32
    scf.if %cond3A_151 {
      %mul3A_170 = arith.constant 80 : i32
      %mul3A_171 = arith.muli %add3A_146, %mul3A_170 : i32
      %multiple_of3A_172 = tpu.assume_multiple %mul3A_171, 80 : i32
      "tpu.region"() ({
        %run_scoped3A_173 = tpu.sem_alloc : memref<!tpu.dma_semaphore, #tpu.memory_space<semaphore_mem>>
        %dma_start3A = arith.constant 0 : i32
        %dma_start3A_174 = tpu.memref_slice %arg6[%multiple_of3A_172, %dma_start3A] : memref<10000x128xf32, #tpu.memory_space<vmem_shared>> -> memref<80x128xf32, #tpu.memory_space<vmem_shared>>
        %dma_start3A_175 = arith.constant 0 : i32
        %dma_start3A_176 = tpu.memref_slice %arg6[%multiple_of3A_172, %dma_start3A_175] : memref<10000x128xf32, #tpu.memory_space<vmem_shared>> -> memref<80x128xf32, #tpu.memory_space<vmem_shared>>
        tpu.enqueue_dma source(%dma_start3A_176 : memref<80x128xf32, #tpu.memory_space<vmem_shared>>) target(%arg10 : memref<80x128xf32, #tpu.memory_space<vmem>>) target_semaphore(%run_scoped3A_173 : memref<!tpu.dma_semaphore, #tpu.memory_space<semaphore_mem>>)
        %dma_wait3A_177 = arith.constant 0 : i32
        %dma_wait3A_178 = tpu.memref_slice %arg6[%multiple_of3A_172, %dma_wait3A_177] : memref<10000x128xf32, #tpu.memory_space<vmem_shared>> -> memref<80x128xf32, #tpu.memory_space<vmem_shared>>
        %dma_wait3A_179 = arith.constant 0 : i32
        %dma_wait3A_180 = tpu.memref_slice %arg6[%multiple_of3A_172, %dma_wait3A_179] : memref<10000x128xf32, #tpu.memory_space<vmem_shared>> -> memref<80x128xf32, #tpu.memory_space<vmem_shared>>
        tpu.wait_dma2 semaphore(%run_scoped3A_173 : memref<!tpu.dma_semaphore, #tpu.memory_space<semaphore_mem>>) src(%dma_wait3A_180 : memref<80x128xf32, #tpu.memory_space<vmem_shared>>) dst(%arg10 : memref<80x128xf32, #tpu.memory_space<vmem>>)
        tpu.yield
      }) : () -> ()
      "tpu.region"() ({
        %run_scoped3A_173 = tpu.sem_alloc : memref<!tpu.dma_semaphore, #tpu.memory_space<semaphore_mem>>
        %dma_start3A = arith.constant 0 : i32
        %dma_start3A_174 = tpu.memref_slice %arg5[%arg0, %multiple_of3A_172, %dma_start3A] : memref<2x10000x128xf32, #tpu.memory_space<hbm>> -> memref<1x80x128xf32, #tpu.memory_space<hbm>>
        %dma_start3A_175 = tpu.memref_squeeze %dma_start3A_174 : memref<1x80x128xf32, #tpu.memory_space<hbm>> -> memref<80x128xf32, #tpu.memory_space<hbm>>
        %dma_start3A_176 = arith.constant 0 : i32
        %dma_start3A_177 = tpu.memref_slice %arg5[%arg0, %multiple_of3A_172, %dma_start3A_176] : memref<2x10000x128xf32, #tpu.memory_space<hbm>> -> memref<1x80x128xf32, #tpu.memory_space<hbm>>
        %dma_start3A_178 = tpu.memref_squeeze %dma_start3A_177 : memref<1x80x128xf32, #tpu.memory_space<hbm>> -> memref<80x128xf32, #tpu.memory_space<hbm>>
        tpu.enqueue_dma source(%arg10 : memref<80x128xf32, #tpu.memory_space<vmem>>) target(%dma_start3A_178 : memref<80x128xf32, #tpu.memory_space<hbm>>) target_semaphore(%run_scoped3A_173 : memref<!tpu.dma_semaphore, #tpu.memory_space<semaphore_mem>>)
        %dma_wait3A_179 = arith.constant 0 : i32
        %dma_wait3A_180 = tpu.memref_slice %arg5[%arg0, %multiple_of3A_172, %dma_wait3A_179] : memref<2x10000x128xf32, #tpu.memory_space<hbm>> -> memref<1x80x128xf32, #tpu.memory_space<hbm>>
        %dma_wait3A_181 = tpu.memref_squeeze %dma_wait3A_180 : memref<1x80x128xf32, #tpu.memory_space<hbm>> -> memref<80x128xf32, #tpu.memory_space<hbm>>
        %dma_wait3A_182 = arith.constant 0 : i32
        %dma_wait3A_183 = tpu.memref_slice %arg5[%arg0, %multiple_of3A_172, %dma_wait3A_182] : memref<2x10000x128xf32, #tpu.memory_space<hbm>> -> memref<1x80x128xf32, #tpu.memory_space<hbm>>
        %dma_wait3A_184 = tpu.memref_squeeze %dma_wait3A_183 : memref<1x80x128xf32, #tpu.memory_space<hbm>> -> memref<80x128xf32, #tpu.memory_space<hbm>>
        tpu.wait_dma2 semaphore(%run_scoped3A_173 : memref<!tpu.dma_semaphore, #tpu.memory_space<semaphore_mem>>) src(%arg10 : memref<80x128xf32, #tpu.memory_space<vmem>>) dst(%dma_wait3A_184 : memref<80x128xf32, #tpu.memory_space<hbm>>)
        tpu.yield
      }) : () -> ()
    } else {
    }
    %mul3A_152 = arith.constant 8 : i32
    %mul3A_153 = arith.muli %arg1, %mul3A_152 : i32
    %add3A_154 = arith.constant 6 : i32
    %add3A_155 = arith.addi %mul3A_153, %add3A_154 : i32
    %lt3A_156 = arith.constant 125 : i32
    %lt3A_157 = arith.cmpi slt, %add3A_155, %lt3A_156 : i32
    %convert_element_type3A_158 = arith.extui %lt3A_157 : i1 to i32
    %cond3A_159 = arith.constant 0 : i32
    %cond3A_160 = arith.cmpi ne, %convert_element_type3A_158, %cond3A_159 : i32
    scf.if %cond3A_160 {
      %mul3A_170 = arith.constant 80 : i32
      %mul3A_171 = arith.muli %add3A_155, %mul3A_170 : i32
      %multiple_of3A_172 = tpu.assume_multiple %mul3A_171, 80 : i32
      "tpu.region"() ({
        %run_scoped3A_173 = tpu.sem_alloc : memref<!tpu.dma_semaphore, #tpu.memory_space<semaphore_mem>>
        %dma_start3A = arith.constant 0 : i32
        %dma_start3A_174 = tpu.memref_slice %arg6[%multiple_of3A_172, %dma_start3A] : memref<10000x128xf32, #tpu.memory_space<vmem_shared>> -> memref<80x128xf32, #tpu.memory_space<vmem_shared>>
        %dma_start3A_175 = arith.constant 0 : i32
        %dma_start3A_176 = tpu.memref_slice %arg6[%multiple_of3A_172, %dma_start3A_175] : memref<10000x128xf32, #tpu.memory_space<vmem_shared>> -> memref<80x128xf32, #tpu.memory_space<vmem_shared>>
        tpu.enqueue_dma source(%dma_start3A_176 : memref<80x128xf32, #tpu.memory_space<vmem_shared>>) target(%arg10 : memref<80x128xf32, #tpu.memory_space<vmem>>) target_semaphore(%run_scoped3A_173 : memref<!tpu.dma_semaphore, #tpu.memory_space<semaphore_mem>>)
        %dma_wait3A_177 = arith.constant 0 : i32
        %dma_wait3A_178 = tpu.memref_slice %arg6[%multiple_of3A_172, %dma_wait3A_177] : memref<10000x128xf32, #tpu.memory_space<vmem_shared>> -> memref<80x128xf32, #tpu.memory_space<vmem_shared>>
        %dma_wait3A_179 = arith.constant 0 : i32
        %dma_wait3A_180 = tpu.memref_slice %arg6[%multiple_of3A_172, %dma_wait3A_179] : memref<10000x128xf32, #tpu.memory_space<vmem_shared>> -> memref<80x128xf32, #tpu.memory_space<vmem_shared>>
        tpu.wait_dma2 semaphore(%run_scoped3A_173 : memref<!tpu.dma_semaphore, #tpu.memory_space<semaphore_mem>>) src(%dma_wait3A_180 : memref<80x128xf32, #tpu.memory_space<vmem_shared>>) dst(%arg10 : memref<80x128xf32, #tpu.memory_space<vmem>>)
        tpu.yield
      }) : () -> ()
      "tpu.region"() ({
        %run_scoped3A_173 = tpu.sem_alloc : memref<!tpu.dma_semaphore, #tpu.memory_space<semaphore_mem>>
        %dma_start3A = arith.constant 0 : i32
        %dma_start3A_174 = tpu.memref_slice %arg5[%arg0, %multiple_of3A_172, %dma_start3A] : memref<2x10000x128xf32, #tpu.memory_space<hbm>> -> memref<1x80x128xf32, #tpu.memory_space<hbm>>
        %dma_start3A_175 = tpu.memref_squeeze %dma_start3A_174 : memref<1x80x128xf32, #tpu.memory_space<hbm>> -> memref<80x128xf32, #tpu.memory_space<hbm>>
        %dma_start3A_176 = arith.constant 0 : i32
        %dma_start3A_177 = tpu.memref_slice %arg5[%arg0, %multiple_of3A_172, %dma_start3A_176] : memref<2x10000x128xf32, #tpu.memory_space<hbm>> -> memref<1x80x128xf32, #tpu.memory_space<hbm>>
        %dma_start3A_178 = tpu.memref_squeeze %dma_start3A_177 : memref<1x80x128xf32, #tpu.memory_space<hbm>> -> memref<80x128xf32, #tpu.memory_space<hbm>>
        tpu.enqueue_dma source(%arg10 : memref<80x128xf32, #tpu.memory_space<vmem>>) target(%dma_start3A_178 : memref<80x128xf32, #tpu.memory_space<hbm>>) target_semaphore(%run_scoped3A_173 : memref<!tpu.dma_semaphore, #tpu.memory_space<semaphore_mem>>)
        %dma_wait3A_179 = arith.constant 0 : i32
        %dma_wait3A_180 = tpu.memref_slice %arg5[%arg0, %multiple_of3A_172, %dma_wait3A_179] : memref<2x10000x128xf32, #tpu.memory_space<hbm>> -> memref<1x80x128xf32, #tpu.memory_space<hbm>>
        %dma_wait3A_181 = tpu.memref_squeeze %dma_wait3A_180 : memref<1x80x128xf32, #tpu.memory_space<hbm>> -> memref<80x128xf32, #tpu.memory_space<hbm>>
        %dma_wait3A_182 = arith.constant 0 : i32
        %dma_wait3A_183 = tpu.memref_slice %arg5[%arg0, %multiple_of3A_172, %dma_wait3A_182] : memref<2x10000x128xf32, #tpu.memory_space<hbm>> -> memref<1x80x128xf32, #tpu.memory_space<hbm>>
        %dma_wait3A_184 = tpu.memref_squeeze %dma_wait3A_183 : memref<1x80x128xf32, #tpu.memory_space<hbm>> -> memref<80x128xf32, #tpu.memory_space<hbm>>
        tpu.wait_dma2 semaphore(%run_scoped3A_173 : memref<!tpu.dma_semaphore, #tpu.memory_space<semaphore_mem>>) src(%arg10 : memref<80x128xf32, #tpu.memory_space<vmem>>) dst(%dma_wait3A_184 : memref<80x128xf32, #tpu.memory_space<hbm>>)
        tpu.yield
      }) : () -> ()
    } else {
    }
    %mul3A_161 = arith.constant 8 : i32
    %mul3A_162 = arith.muli %arg1, %mul3A_161 : i32
    %add3A_163 = arith.constant 7 : i32
    %add3A_164 = arith.addi %mul3A_162, %add3A_163 : i32
    %lt3A_165 = arith.constant 125 : i32
    %lt3A_166 = arith.cmpi slt, %add3A_164, %lt3A_165 : i32
    %convert_element_type3A_167 = arith.extui %lt3A_166 : i1 to i32
    %cond3A_168 = arith.constant 0 : i32
    %cond3A_169 = arith.cmpi ne, %convert_element_type3A_167, %cond3A_168 : i32
    scf.if %cond3A_169 {
      %mul3A_170 = arith.constant 80 : i32
      %mul3A_171 = arith.muli %add3A_164, %mul3A_170 : i32
      %multiple_of3A_172 = tpu.assume_multiple %mul3A_171, 80 : i32
      "tpu.region"() ({
        %run_scoped3A_173 = tpu.sem_alloc : memref<!tpu.dma_semaphore, #tpu.memory_space<semaphore_mem>>
        %dma_start3A = arith.constant 0 : i32
        %dma_start3A_174 = tpu.memref_slice %arg6[%multiple_of3A_172, %dma_start3A] : memref<10000x128xf32, #tpu.memory_space<vmem_shared>> -> memref<80x128xf32, #tpu.memory_space<vmem_shared>>
        %dma_start3A_175 = arith.constant 0 : i32
        %dma_start3A_176 = tpu.memref_slice %arg6[%multiple_of3A_172, %dma_start3A_175] : memref<10000x128xf32, #tpu.memory_space<vmem_shared>> -> memref<80x128xf32, #tpu.memory_space<vmem_shared>>
        tpu.enqueue_dma source(%dma_start3A_176 : memref<80x128xf32, #tpu.memory_space<vmem_shared>>) target(%arg10 : memref<80x128xf32, #tpu.memory_space<vmem>>) target_semaphore(%run_scoped3A_173 : memref<!tpu.dma_semaphore, #tpu.memory_space<semaphore_mem>>)
        %dma_wait3A_177 = arith.constant 0 : i32
        %dma_wait3A_178 = tpu.memref_slice %arg6[%multiple_of3A_172, %dma_wait3A_177] : memref<10000x128xf32, #tpu.memory_space<vmem_shared>> -> memref<80x128xf32, #tpu.memory_space<vmem_shared>>
        %dma_wait3A_179 = arith.constant 0 : i32
        %dma_wait3A_180 = tpu.memref_slice %arg6[%multiple_of3A_172, %dma_wait3A_179] : memref<10000x128xf32, #tpu.memory_space<vmem_shared>> -> memref<80x128xf32, #tpu.memory_space<vmem_shared>>
        tpu.wait_dma2 semaphore(%run_scoped3A_173 : memref<!tpu.dma_semaphore, #tpu.memory_space<semaphore_mem>>) src(%dma_wait3A_180 : memref<80x128xf32, #tpu.memory_space<vmem_shared>>) dst(%arg10 : memref<80x128xf32, #tpu.memory_space<vmem>>)
        tpu.yield
      }) : () -> ()
      "tpu.region"() ({
        %run_scoped3A_173 = tpu.sem_alloc : memref<!tpu.dma_semaphore, #tpu.memory_space<semaphore_mem>>
        %dma_start3A = arith.constant 0 : i32
        %dma_start3A_174 = tpu.memref_slice %arg5[%arg0, %multiple_of3A_172, %dma_start3A] : memref<2x10000x128xf32, #tpu.memory_space<hbm>> -> memref<1x80x128xf32, #tpu.memory_space<hbm>>
        %dma_start3A_175 = tpu.memref_squeeze %dma_start3A_174 : memref<1x80x128xf32, #tpu.memory_space<hbm>> -> memref<80x128xf32, #tpu.memory_space<hbm>>
        %dma_start3A_176 = arith.constant 0 : i32
        %dma_start3A_177 = tpu.memref_slice %arg5[%arg0, %multiple_of3A_172, %dma_start3A_176] : memref<2x10000x128xf32, #tpu.memory_space<hbm>> -> memref<1x80x128xf32, #tpu.memory_space<hbm>>
        %dma_start3A_178 = tpu.memref_squeeze %dma_start3A_177 : memref<1x80x128xf32, #tpu.memory_space<hbm>> -> memref<80x128xf32, #tpu.memory_space<hbm>>
        tpu.enqueue_dma source(%arg10 : memref<80x128xf32, #tpu.memory_space<vmem>>) target(%dma_start3A_178 : memref<80x128xf32, #tpu.memory_space<hbm>>) target_semaphore(%run_scoped3A_173 : memref<!tpu.dma_semaphore, #tpu.memory_space<semaphore_mem>>)
        %dma_wait3A_179 = arith.constant 0 : i32
        %dma_wait3A_180 = tpu.memref_slice %arg5[%arg0, %multiple_of3A_172, %dma_wait3A_179] : memref<2x10000x128xf32, #tpu.memory_space<hbm>> -> memref<1x80x128xf32, #tpu.memory_space<hbm>>
        %dma_wait3A_181 = tpu.memref_squeeze %dma_wait3A_180 : memref<1x80x128xf32, #tpu.memory_space<hbm>> -> memref<80x128xf32, #tpu.memory_space<hbm>>
        %dma_wait3A_182 = arith.constant 0 : i32
        %dma_wait3A_183 = tpu.memref_slice %arg5[%arg0, %multiple_of3A_172, %dma_wait3A_182] : memref<2x10000x128xf32, #tpu.memory_space<hbm>> -> memref<1x80x128xf32, #tpu.memory_space<hbm>>
        %dma_wait3A_184 = tpu.memref_squeeze %dma_wait3A_183 : memref<1x80x128xf32, #tpu.memory_space<hbm>> -> memref<80x128xf32, #tpu.memory_space<hbm>>
        tpu.wait_dma2 semaphore(%run_scoped3A_173 : memref<!tpu.dma_semaphore, #tpu.memory_space<semaphore_mem>>) src(%arg10 : memref<80x128xf32, #tpu.memory_space<vmem>>) dst(%dma_wait3A_184 : memref<80x128xf32, #tpu.memory_space<hbm>>)
        tpu.yield
      }) : () -> ()
    } else {
    }
    return
  }
}

module attributes {stable_mosaic.version = 14 : i64} {
  func.func @_combine_body(%arg0: i32, %arg1: memref<2x1000x128xf32, #tpu.memory_space<vmem>>, %arg2: memref<1x128xf32, #tpu.memory_space<vmem>>, %arg3: memref<128x128xf32, #tpu.memory_space<vmem>>, %arg4: memref<1x128xf32, #tpu.memory_space<vmem>>, %arg5: memref<1000x128xf32, #tpu.memory_space<vmem>>) attributes {dimension_semantics = [#tpu.dimension_semantics<arbitrary>], iteration_bounds = array<i64: 10>, scalar_prefetch = 0 : i64, scratch_operands = 0 : i64, tpu.core_type = #tpu.core_type<tc>, window_params = [{transform_indices = @transform_0, window_bounds = array<i64: 2, 1000, 128>}, {pipeline_mode = #tpu.pipeline_mode<synchronous>, transform_indices = @transform_1, window_bounds = array<i64: 1, 128>}, {pipeline_mode = #tpu.pipeline_mode<synchronous>, transform_indices = @transform_2, window_bounds = array<i64: 128, 128>}, {pipeline_mode = #tpu.pipeline_mode<synchronous>, transform_indices = @transform_3, window_bounds = array<i64: 1, 128>}, {transform_indices = @transform_4, window_bounds = array<i64: 1000, 128>}]} {
    %get3A = arith.constant 0 : index
    %get3A_0 = arith.constant 0 : index
    %get3A_1 = vector.load %arg2[%get3A, %get3A_0] : memref<1x128xf32, #tpu.memory_space<vmem>>, vector<1x128xf32>
    %get3A_2 = arith.constant 0 : index
    %get3A_3 = arith.constant 0 : index
    %get3A_4 = vector.load %arg3[%get3A_2, %get3A_3] : memref<128x128xf32, #tpu.memory_space<vmem>>, vector<128x128xf32>
    %dot_general3A = arith.constant dense<0.000000e+00> : vector<1x128xf32>
    %dot_general3A_5 = tpu.matmul %get3A_1, %get3A_4, %dot_general3A {dimension_numbers = #tpu.dot_dimension_numbers<[1], [1], [0], [0], [0, 0, 1, 0], [], []>, precision = #tpu.contract_precision<fp32>, transpose_lhs_hint = false} : vector<1x128xf32>, vector<128x128xf32>, vector<1x128xf32> -> vector<1x128xf32>
    %get3A_6 = arith.constant 0 : index
    %get3A_7 = arith.constant 0 : index
    %get3A_8 = vector.load %arg4[%get3A_6, %get3A_7] : memref<1x128xf32, #tpu.memory_space<vmem>>, vector<1x128xf32>
    %add3A = arith.addf %dot_general3A_5, %get3A_8 : vector<1x128xf32>
    %get3A_9 = arith.constant 0 : index
    %get3A_10 = arith.constant 0 : index
    %get3A_11 = arith.constant 0 : index
    %get3A_12 = vector.load %arg1[%get3A_9, %get3A_10, %get3A_11] : memref<2x1000x128xf32, #tpu.memory_space<vmem>>, vector<1x1000x128xf32>
    %get3A_13 = vector.shape_cast %get3A_12 : vector<1x1000x128xf32> to vector<1000x128xf32>
    %get3A_14 = arith.constant 1 : index
    %get3A_15 = arith.constant 0 : index
    %get3A_16 = arith.constant 0 : index
    %get3A_17 = vector.load %arg1[%get3A_14, %get3A_15, %get3A_16] : memref<2x1000x128xf32, #tpu.memory_space<vmem>>, vector<1x1000x128xf32>
    %get3A_18 = vector.shape_cast %get3A_17 : vector<1x1000x128xf32> to vector<1000x128xf32>
    %add3A_19 = arith.addf %get3A_13, %get3A_18 : vector<1000x128xf32>
    %add3A_20 = vector.broadcast %add3A : vector<1x128xf32> to vector<1000x128xf32>
    %add3A_21 = arith.addf %add3A_19, %add3A_20 : vector<1000x128xf32>
    %swap3A = arith.constant 0 : index
    %swap3A_22 = arith.constant 0 : index
    %swap3A_23 = vector.load %arg5[%swap3A, %swap3A_22] : memref<1000x128xf32, #tpu.memory_space<vmem>>, vector<1000x128xf32>
    tpu.vector_store %arg5[%swap3A, %swap3A_22], %add3A_21 {strides = array<i32>} : memref<1000x128xf32, #tpu.memory_space<vmem>>, vector<1000x128xf32>,
    return
  }
  func.func @transform_0(%arg0: i32) -> (i32, i32, i32) {
    %c0_i32 = arith.constant 0 : i32
    %c0_i32_0 = arith.constant 0 : i32
    %c0_i32_1 = arith.constant 0 : i32
    return %c0_i32, %arg0, %c0_i32_0 : i32, i32, i32
  }
  func.func @transform_1(%arg0: i32) -> (i32, i32) {
    %c0_i32 = arith.constant 0 : i32
    %c0_i32_0 = arith.constant 0 : i32
    %c0_i32_1 = arith.constant 0 : i32
    return %c0_i32, %c0_i32_0 : i32, i32
  }
  func.func @transform_2(%arg0: i32) -> (i32, i32) {
    %c0_i32 = arith.constant 0 : i32
    %c0_i32_0 = arith.constant 0 : i32
    %c0_i32_1 = arith.constant 0 : i32
    return %c0_i32, %c0_i32_0 : i32, i32
  }
  func.func @transform_3(%arg0: i32) -> (i32, i32) {
    %c0_i32 = arith.constant 0 : i32
    %c0_i32_0 = arith.constant 0 : i32
    %c0_i32_1 = arith.constant 0 : i32
    return %c0_i32, %c0_i32_0 : i32, i32
  }
  func.func @transform_4(%arg0: i32) -> (i32, i32) {
    %c0_i32 = arith.constant 0 : i32
    %c0_i32_0 = arith.constant 0 : i32
    return %arg0, %c0_i32 : i32, i32
  }
}

module attributes {stable_mosaic.version = 14 : i64} {
  func.func @_mm_body(%arg0: i32, %arg1: memref<1000x128xf32, #tpu.memory_space<vmem>>, %arg2: memref<128x128xf32, #tpu.memory_space<vmem>>, %arg3: memref<128x128xf32, #tpu.memory_space<vmem>>, %arg4: memref<1000x128xf32, #tpu.memory_space<vmem>>) attributes {dimension_semantics = [#tpu.dimension_semantics<arbitrary>], iteration_bounds = array<i64: 10>, scalar_prefetch = 0 : i64, scratch_operands = 0 : i64, tpu.core_type = #tpu.core_type<tc>, window_params = [{transform_indices = @transform_0, window_bounds = array<i64: 1000, 128>}, {pipeline_mode = #tpu.pipeline_mode<synchronous>, transform_indices = @transform_1, window_bounds = array<i64: 128, 128>}, {pipeline_mode = #tpu.pipeline_mode<synchronous>, transform_indices = @transform_2, window_bounds = array<i64: 128, 128>}, {transform_indices = @transform_3, window_bounds = array<i64: 1000, 128>}]} {
    %get3A = arith.constant 0 : index
    %get3A_0 = arith.constant 0 : index
    %get3A_1 = vector.load %arg1[%get3A, %get3A_0] : memref<1000x128xf32, #tpu.memory_space<vmem>>, vector<1000x128xf32>
    %get3A_2 = arith.constant 0 : index
    %get3A_3 = arith.constant 0 : index
    %get3A_4 = vector.load %arg2[%get3A_2, %get3A_3] : memref<128x128xf32, #tpu.memory_space<vmem>>, vector<128x128xf32>
    %dot_general3A = arith.constant dense<0.000000e+00> : vector<1000x128xf32>
    %dot_general3A_5 = tpu.matmul %get3A_1, %get3A_4, %dot_general3A {dimension_numbers = #tpu.dot_dimension_numbers<[1], [1], [0], [0], [0, 0, 1, 0], [], []>, precision = #tpu.contract_precision<fp32>, transpose_lhs_hint = false} : vector<1000x128xf32>, vector<128x128xf32>, vector<1000x128xf32> -> vector<1000x128xf32>
    %get3A_6 = arith.constant 0 : index
    %get3A_7 = arith.constant 0 : index
    %get3A_8 = vector.load %arg3[%get3A_6, %get3A_7] : memref<128x128xf32, #tpu.memory_space<vmem>>, vector<128x128xf32>
    %dot_general3A_9 = arith.constant dense<0.000000e+00> : vector<1000x128xf32>
    %dot_general3A_10 = tpu.matmul %dot_general3A_5, %get3A_8, %dot_general3A_9 {dimension_numbers = #tpu.dot_dimension_numbers<[1], [1], [0], [0], [0, 0, 1, 0], [], []>, precision = #tpu.contract_precision<fp32>, transpose_lhs_hint = false} : vector<1000x128xf32>, vector<128x128xf32>, vector<1000x128xf32> -> vector<1000x128xf32>
    %swap3A = arith.constant 0 : index
    %swap3A_11 = arith.constant 0 : index
    %swap3A_12 = vector.load %arg4[%swap3A, %swap3A_11] : memref<1000x128xf32, #tpu.memory_space<vmem>>, vector<1000x128xf32>
    tpu.vector_store %arg4[%swap3A, %swap3A_11], %dot_general3A_10 {strides = array<i32>} : memref<1000x128xf32, #tpu.memory_space<vmem>>, vector<1000x128xf32>,
    return
  }
  func.func @transform_0(%arg0: i32) -> (i32, i32) {
    %c0_i32 = arith.constant 0 : i32
    %c0_i32_0 = arith.constant 0 : i32
    return %arg0, %c0_i32 : i32, i32
  }
  func.func @transform_1(%arg0: i32) -> (i32, i32) {
    %c0_i32 = arith.constant 0 : i32
    %c0_i32_0 = arith.constant 0 : i32
    %c0_i32_1 = arith.constant 0 : i32
    return %c0_i32, %c0_i32_0 : i32, i32
  }
  func.func @transform_2(%arg0: i32) -> (i32, i32) {
    %c0_i32 = arith.constant 0 : i32
    %c0_i32_0 = arith.constant 0 : i32
    %c0_i32_1 = arith.constant 0 : i32
    return %c0_i32, %c0_i32_0 : i32, i32
  }
  func.func @transform_3(%arg0: i32) -> (i32, i32) {
    %c0_i32 = arith.constant 0 : i32
    %c0_i32_0 = arith.constant 0 : i32
    return %arg0, %c0_i32 : i32, i32
  }
}

</mosaic_0001>

<sc_bundles>
// kernel: kernel.5.cloned.1.call-start
scs
__scs_entry_jumppad:
0x0: {  	(pc) =	sbr.rel $0x88, $3  }
0x1: {  	(tag) =	ssettag $0x0;
	lr =	simm.s32 $0x1  }
0x2: {  	[smem:$0x3F9B] =	sst lr;
	_ =	strace $0xD0000000  }
0x3: {  	_ = 	snop  }
0x4: {  	_ = 	snop  }
0x5: {  	_ = 	snop  }
0x6: {  	_ = 	snop  }
0x7: {  	_ = 	snop  }
__scs_overlays_trampoline_lowered:
0x8: {  	[smem:$0x3FAA] =	sst s0  }
0x9: {  	[smem:$0x3FAB] =	sst s1  }
0xa: {  	[smem:$0x3FAC] =	sst s2  }
0xb: {  	[smem:$0x3FAD] =	sst s3  }
0xc: {  	[smem:$0x3FAE] =	sst s4  }
0xd: {  	[smem:$0x3FAF] =	sst s5  }
0xe: {  	[smem:$0x3FB0] =	sst s6  }
0xf: {  	[smem:$0x3FB1] =	sst s7  }
0x10: {  	[smem:$0x3FB2] =	sst s8  }
0x11: {  	[smem:$0x3FB3] =	sst s9;
	s0 =	simm.s32 @!p0 $0x0  }
0x12: {  	s1 =	sld [smem:$0x3F99];
	s0 =	simm.s32 @p0 $0x1  }
0x13: {  	[smem:$0x3FB4] =	sst s0;
	s0 =	simm.s32 @!p1 $0x0  }
0x14: {  	s2 =	sld [smem:$0x3F98];
	s0 =	simm.s32 @p1 $0x1  }
0x15: {  	[smem:$0x3FB5] =	sst s0;
	s0 =	simm.s32 @!p2 $0x0  }
0x16: {  	s3 =	sld [smem:$0x3FDB];
	s0 =	simm.s32 @p2 $0x1  }
0x17: {  	s4 =	simm.s32 $0x1BF5;
	[smem:$0x3FB7] =	sst s0  }
0x18: {  	s0 =	sld [smem:$0x3F9A];
	_ =	swait.ge [sflag:s4], $0x0  }
0x19: {  	s7 =	sld [smem:$0x3F9B]  }
0x1a: {  	s8 =	sadd.s32 $0xFFFFE003, lr  }
0x1b: {  	s9 =	sadd.s32 $0xFFFFFEF7, lr;
	s5 =	simm.s32 $0xFFFFFFFF;
	p2 =	slt.u32 s8, $0xFFFFF086  }
0x1c: {  	p1 =	slt.u32 s9, $0xF7A;
	s5 =	simm.s32 @!p2 $0x0  }
0x1d: {  	s5 =	simm.s32 @p1 $0x1;
	p0 =	seq.s32 s7, s2  }
0x1e: {  	s7 =	smul.u32 @!p0 $0xF7A, s2;
	p2 =	seq.s32 @!p0 s5, $0x0  }
0x1f: {  	s9 =	smul.u32 $0xF7A, s1;
	s8 =	simm.s32 @!p0 $0x1BF5;
	p2 =	por !p2, p0  }
0x20: {  	[sflag:s8] =	ssyncset.s32 @!p0 $0xFFFFF086;
	s6 =	sadd.s32 @!p0 s3, s7;
	s7 =	simm.s32 @!p0 $0x108  }
0x21: {  	s3 =	sadd.s32 s3, s9;
	s6 =	sadd.s32 @!p0 $0x88, s6;
	s7 =	simm.s32 @p2 $0x1082  }
0x22: {  	[simem:s7], [sflag:s8] =	dma.local @!p0 [hbm:s6], $0xF7A  }
0x23: {  	s9 =	sor.u32 $0xD0000000, s2;
	s6 =	simm.s32 $0x108;
	_ =	swait.ge @!p0 [sflag:s8], $0x0  }
0x24: {  	s3 =	sadd.s32 $0x88, s3;
	s6 =	simm.s32 @!p1 $0x1082;
	[sflag:s4] =	ssyncset.s32 $0xFFFFF086  }
0x25: {  	[simem:s6], [sflag:s4] =	dma.local [hbm:s3], $0xF7A  }
0x26: {  	[smem:$0x3F9B] =	sst s1;
	(tag) =	ssettag s2;
	_ =	strace s9  }
0x27: {  	s1 =	sld [smem:$0x3FAB]  }
0x28: {  	s2 =	sld [smem:$0x3FAC]  }
0x29: {  	s4 =	sld [smem:$0x3FAE]  }
0x2a: {  	p0 =	seq.s32 s5, $0x0;
	s5 =	sld [smem:$0x3FAF]  }
0x2b: {  	s6 =	sld [smem:$0x3FB0]  }
0x2c: {  	s7 =	sld [smem:$0x3FB1]  }
0x2d: {  	s3 =	simm.s32 $0x108;
	s8 =	sld [smem:$0x3FB2]  }
0x2e: {  	s3 =	simm.s32 @!p0 $0x1082;
	s9 =	sld [smem:$0x3FB3]  }
0x2f: {  	lr =	sadd.s32 s0, s3;
	s0 =	sld [smem:$0x3FAA]  }
0x30: {  	s3 =	sld [smem:$0x3FAD]  }
0x31: {  	[smem:$0x3FB6] =	sst s10  }
0x32: {  	s10 =	sld [smem:$0x3FB4];
	_ =	sdelay $0x3  }
0x33: {  	p0 =	seq.s32 s10, $0x1;
	s10 =	sld [smem:$0x3FB6];
	_ =	sdelay $0x3  }
0x34: {  	[smem:$0x3FB6] =	sst s10  }
0x35: {  	s10 =	sld [smem:$0x3FB5];
	_ =	sdelay $0x3  }
0x36: {  	p1 =	seq.s32 s10, $0x1;
	s10 =	sld [smem:$0x3FB6];
	_ =	sdelay $0x3  }
0x37: {  	[smem:$0x3FB6] =	sst s10  }
0x38: {  	s10 =	sld [smem:$0x3FB7]  }
0x39: {  	_ = 	snop;
	(pc) =	sbr.ind lr, $3  }
0x3a: {  	_ = 	snop  }
0x3b: {  	_ = 	snop  }
0x3c: {  	p2 =	seq.s32 s10, $0x1;
	s10 =	sld [smem:$0x3FB6]  }
0x3d: {  	_ =	shalt  }
0x3e: {  	_ =	shalt  }
0x3f: {  	_ =	shalt  }
0x40: {  	_ =	shalt  }
0x41: {  	_ =	shalt  }
0x42: {  	_ =	shalt  }
0x43: {  	_ =	shalt  }
0x44: {  	_ =	shalt  }
0x45: {  	_ =	shalt  }
0x46: {  	_ =	shalt  }
0x47: {  	_ =	shalt  }
0x48: {  	_ =	shalt  }
0x49: {  	_ =	shalt  }
0x4a: {  	_ =	shalt  }
0x4b: {  	_ =	shalt  }
0x4c: {  	_ =	shalt  }
0x4d: {  	_ =	shalt  }
0x4e: {  	_ =	shalt  }
0x4f: {  	_ =	shalt  }
0x50: {  	_ =	shalt  }
0x51: {  	_ =	shalt  }
0x52: {  	_ =	shalt  }
0x53: {  	_ =	shalt  }
0x54: {  	_ =	shalt  }
0x55: {  	_ =	shalt  }
0x56: {  	_ =	shalt  }
0x57: {  	_ =	shalt  }
0x58: {  	_ =	shalt  }
0x59: {  	_ =	shalt  }
0x5a: {  	_ =	shalt  }
0x5b: {  	_ =	shalt  }
0x5c: {  	_ =	shalt  }
0x5d: {  	_ =	shalt  }
0x5e: {  	_ =	shalt  }
0x5f: {  	_ =	shalt  }
0x60: {  	_ =	shalt  }
0x61: {  	_ =	shalt  }
0x62: {  	_ =	shalt  }
0x63: {  	_ =	shalt  }
0x64: {  	_ =	shalt  }
0x65: {  	_ =	shalt  }
0x66: {  	_ =	shalt  }
0x67: {  	_ =	shalt  }
0x68: {  	_ =	shalt  }
0x69: {  	_ =	shalt  }
0x6a: {  	_ =	shalt  }
0x6b: {  	_ =	shalt  }
0x6c: {  	_ =	shalt  }
0x6d: {  	_ =	shalt  }
0x6e: {  	_ =	shalt  }
0x6f: {  	_ =	shalt  }
0x70: {  	_ =	shalt  }
0x71: {  	_ =	shalt  }
0x72: {  	_ =	shalt  }
0x73: {  	_ =	shalt  }
0x74: {  	_ =	shalt  }
0x75: {  	_ =	shalt  }
0x76: {  	_ =	shalt  }
0x77: {  	_ =	shalt  }
0x78: {  	_ =	shalt  }
0x79: {  	_ =	shalt  }
0x7a: {  	_ =	shalt  }
0x7b: {  	_ =	shalt  }
0x7c: {  	_ =	shalt  }
0x7d: {  	_ =	shalt  }
0x7e: {  	_ =	shalt  }
0x7f: {  	_ =	shalt  }
0x80: {  	_ =	shalt  }
0x81: {  	_ =	shalt  }
0x82: {  	_ =	shalt  }
0x83: {  	_ =	shalt  }
0x84: {  	_ =	shalt  }
0x85: {  	_ =	shalt  }
0x86: {  	_ =	shalt  }
0x87: {  	_ =	shalt  }
.Lfunc_end0:
.L_simem_size_0:
called_computation_lowered:
.L_overlay_start_0:
0x88: {  	s2 =	sld [smem:$0x3FD9]  }
0x89: {  	s3 =	sld [smem:$0x3FFE];
	_ =	sdelay $0x1  }
0x8a: {  	s1 =	srdreg.scid  }
0x8b: {  	s0 =	sand.u32 $0x1, s1  }
0x8c: {  	s17 =	sshll.u32 s0, $0xA;
	s2 =	sadd.s32 s3, s2  }
0x8d: {  	s2 =	sadd.s32 s2, s17  }
0x8e: {  	[smem:$0x3FC2] =	sst s2  }
0x8f: {  	_ = 	snop  }
0x90: {  	s2 =	sld [smem:$0x3FD0];
	(tm) =	ssettm $0x1  }
0x91: {  	s18 =	sld [smem:$0x3FFB];
	_ =	sdelay $0x3  }
0x92: {  	_ =	strace s18  }
0x93: {  	s3 =	sld [smem:$0x3FFC];
	_ =	sdelay $0x3  }
0x94: {  	_ =	strace s3  }
0x95: {  	s3 =	sld [smem:$0x3FFD];
	_ =	sdelay $0x3  }
0x96: {  	_ =	strace s3  }
0x97: {  	_ =	strace $0x8FFFFFFF  }
0x98: {  	s19 =	sld [smem:$0x3FDB];
	_ =	sdelay $0x1  }
0x99: {  	s4 =	simm.s32 $_scs_section_size  }
0x9a: {  	s5 =	simm.s32 $_size__tile_overlayer_lowered;
	s6 =	simm.s32 $_tile_overlayer_lowered  }
0x9b: {  	s22 =	simm.s32 $0x1BFF;
	s21 =	sshll.u32 s6, $0x1;
	s3 =	sadd.s32 s4, s19  }
0x9c: {  	s7 =	simm.s32 $0x0;
	s20 =	sshll.u32 s5, $0x1;
	s5 =	sadd.s32 s21, s3  }
0x9d: {  	[timem:s7], [sflag:s22] =	dma.local [hbm:s5], s20  }
0x9e: {  	_ =	swait.ge [sflag:s22], s20  }
0x9f: {  	s4 =	ssub.s32 $0x0, s20;
	[sflag:s22] =	ssyncset.done $0x0  }
0xa0: {  	[sflag:s22] =	ssyncadd.s32 s4;
	_ =	sdelay $0x1  }
0xa1: {  	s23 =	simm.s32 $0x1B8B  }
0xa2: {  	_ =	swait.ge [sflag:s23], $0x1  }
0xa3: {  	[sflag:s23] =	ssyncset.done $0x0  }
0xa4: {  	s25 =	simm.s32 $0x1B8E;
	s24 =	sld [smem:$0x3FFE];
	[sflag:s23] =	ssyncadd.s32 $0xFFFFFFFF  }
0xa5: {  	s26 =	simm.s32 $execute0_lowered;
	[smem:$0x3FD2] =	sst s25  }
0xa6: {  	s5 =	sshll.u32 s26, $0x1;
	_ =	strace $0x80000046;
	[dreg:$0x1] =	wrdreg $0xFFFFFFFF  }
0xa7: {  	s28 =	simm.s32 $_size_execute0_lowered;
	s3 =	sadd.s32 s3, s5;
	[dreg:$0x0] =	wrdreg $0x0  }
0xa8: {  	s5 =	sshll.u32 s28, $0x1;
	[dreg:$0x2] =	wrdreg s3  }
0xa9: {  	[dreg:$0x3] =	wrdreg s5  }
0xaa: {  	[dreg:$0x4] =	wrdreg $0xC0  }
0xab: {  	_ =	task [dreg:s7], $0x5FFFF  }
0xac: {  	[dreg:$0x1] =	wrdreg $0xFFFFFFFF  }
0xad: {  	[dreg:$0x0] =	wrdreg $0x60  }
0xae: {  	[dreg:$0x2] =	wrdreg s24  }
0xaf: {  	[dreg:$0x3] =	wrdreg s2  }
0xb0: {  	[dreg:$0x4] =	wrdreg $0x0  }
0xb1: {  	[dreg:$0x5] =	wrdreg $0x9  }
0xb2: {  	_ =	task.clear_ibuf [dreg:s7], $0x6FFFF;
	_ =	strace $0x90000046  }
0xb3: {  	s29 =	simm.s32 $0x9;
	_ =	strace $0x80000048  }
0xb4: {  	_ =	swait.ge [sflag:s29], $0x1  }
0xb5: {  	[sflag:s29] =	ssyncadd.s32 $0xFFFFFFFF  }
0xb6: {  	_ =	strace $0x90000048  }
0xb7: {  	_ =	sfence  }
0xb8: {  	s30 =	sld [smem:$0x0];
	_ =	sdelay $0x2  }
0xb9: {  	s31 =	sshll.u32 s1, $0xD;
	s1 =	sshrl.u32 s1, $0x2  }
0xba: {  	s3 =	sand.u32 $0x4000, s31;
	s1 =	sadd.s32 s1, s30  }
0xbb: {  	s0 =	sor.u32 s3, s0;
	s1 =	sshll.u32 s1, $0x11  }
0xbc: {  	s0 =	sor.u32 s1, s0  }
0xbd: {  	s0 =	sadd.s32 $0x8F2B, s0  }
0xbe: {  	[sflag:s0] =	ssyncadd.remote.s32 $0x1  }
0xbf: {  	_ =	sfence.sel $0xFFFF  }
0xc0: {  	[dreg:$0x0] =	wrdreg $0xFFFFFFFF;
	(pc) =	sbr.abs _section_cstart, $3  }
0xc1: {  	[dreg:$0x1] =	wrdreg $0xFFFFFFFF  }
0xc2: {  	_ =	task.clear_ibuf [dreg:s7], $0x2FFFF;
	_ =	strace $0x9FFFFFFF  }
0xc3: {  	(tm) =	ssettm $0x7FFFFFFF  }
tec
execute0_lowered:
.L_overlay_start_1:
0x0: {  	(tag) =	ssettag $0x1  }
0x1: {  	s0 =	srdreg.scid  }
0x2: {  	s29 =	stileid.u32;
	s4 =	rddreg [dreg:$0x0]  }
0x3: {  	s1 =	rddreg [dreg:$0x1];
	s8 =	smul.u32 $0x14000, s29  }
0x4: {  	s2 =	simm.s32 $0x0;
	s3 =	sand.u32 $0x1, s0;
	s21 =	smul.u32 $0x2710, s29  }
0x5: {  	s30 =	simm.s32 $0x4;
	s24 =	sshllo.u32 s29, $0x3;
	s6 =	smul.u32 $0x138800, s3  }
0x6: {  	s31 =	sshll.u32 s29, $0x3;
	s0 =	sshll.u32 s3, $0x4;
	s25 =	smul.u32 $0x2800, s24  }
0x7: {  	s7 =	sor.u32 $0x1, s31;
	s17 =	ssub.s32 $0x2, s3;
	s3 =	smul.u32 $0x27100, s3  }
0x8: {  	[smem:$0x7FF] =	sst s2;
	s10 =	sor.u32 $0x2, s31;
	s11 =	smul.u32 $0x2800, s7  }
0x9: {  	s9 =	sadd.s32 $0xAA00, s4;
	s13 =	sor.u32 $0x3, s31;
	s14 =	smul.u32 $0x2800, s10  }
0xa: {  	s12 =	sadd.s32 $0xC00, s4;
	s15 =	sor.u32 $0x4, s31;
	s16 =	smul.u32 $0x2800, s13  }
0xb: {  	s4 =	sadd.s32 $0x14800, s4;
	s22 =	sor.u32 $0x5, s31;
	s18 =	smul.u32 $0x2800, s15  }
0xc: {  	p2 =	seq.s32 s29, $0xF;
	s23 =	sor.u32 $0x6, s31;
	s20 =	smul.u32 $0x2800, s22  }
0xd: {  	p1 =	sgt.u32 s24, $0x7C;
	s0 =	sor.u32 s29, s0;
	s10 =	smul.u32 $0xA000, s10  }
0xe: {  	s19 =	sshrl.u32 s17, $0x1;
	p0 =	sgt.u32 s23, $0x7C;
	s5 =	smul.u32 $0x2710, s0  }
0xf: {  	s0 =	ssub.s32 s17, s19;
	s19 =	smul.u32 $0x2800, s23;
	s8 =	sadd.s32 s8, s6  }
0x10: {  	s3 =	sadd.s32 s21, s3;
	s11 =	sadd.s32 s6, s11;
	s14 =	sadd.s32 s6, s14  }
0x11: {  	s16 =	sadd.s32 s6, s16;
	s18 =	sadd.s32 s6, s18;
	s20 =	sadd.s32 s6, s20  }
0x12: {  	s8 =	sshrl.u32 s8, $0x3;
	s3 =	sadd.s32 $0xA0, s3;
	s28 =	smax.u32 s0, $0x1  }
0x13: {  	s0 =	simm.s32 $0x50;
	s5 =	sshrl.u32 s5, $0x3;
	s17 =	sadd.s32 s6, s19  }
0x14: {  	s6 =	sadd.s32 s6, s25;
	s8 =	sadd.s32 s4, s8;
	s11 =	sshrl.u32 s11, $0x3  }
0x15: {  	s14 =	sshrl.u32 s14, $0x3;
	s16 =	sshrl.u32 s16, $0x3;
	s21 =	sshrl.u32 s18, $0x3  }
0x16: {  	s25 =	sshrl.u32 s20, $0x3;
	s26 =	sadd.s32 s9, s5;
	[dreg:$0x6] =	wrdreg s8  }
0x17: {  	s3 =	sshrl.u32 s3, $0x3;
	s31 =	sadd.s32 s12, s5;
	[dreg:$0x4] =	wrdreg s26  }
0x18: {  	s8 =	sadd.s32 s4, s11;
	s19 =	sadd.s32 s4, s16;
	[dreg:$0x5] =	wrdreg s31  }
0x19: {  	s6 =	sshrl.u32 s6, $0x3;
	s11 =	smul.u32 $0xA000, s13;
	[dreg:$0x7] =	wrdreg s8  }
0x1a: {  	s16 =	sadd.s32 s3, s12;
	s13 =	smul.u32 $0xA000, s15;
	[dreg:$0x9] =	wrdreg s19  }
0x1b: {  	s8 =	sadd.s32 s4, s14;
	s26 =	sshrl.u32 s17, $0x3;
	s17 =	rddreg [dreg:$0x2]  }
0x1c: {  	s18 =	sadd.s32 s3, s9;
	s15 =	smul.u32 $0xA000, s22;
	[dreg:$0x8] =	wrdreg s8  }
0x1d: {  	s8 =	sadd.s32 s4, s21;
	s31 =	sadd.s32 s4, s26;
	s14 =	sshrl.u32 s11, $0x2  }
0x1e: {  	s26 =	smul.u32 $0xA000, s24;
	[dreg:$0xa] =	wrdreg s8;
	s8 =	sadd.s32 s4, s25  }
0x1f: {  	[dreg:$0xc] =	wrdreg s31;
	s4 =	sadd.s32 s4, s6;
	s6 =	sadd.s32 $0xA, s5  }
0x20: {  	s22 =	sadd.s32 s14, s17;
	s25 =	smul.u32 $0xA000, s23;
	[dreg:$0xb] =	wrdreg s8  }
0x21: {  	[dreg:$0xd] =	wrdreg s4;
	s5 =	sadd.s32 s9, s6;
	s8 =	smul.u32 $0x50000, s29  }
0x22: {  	s4 =	sadd.s32 s12, s6;
	s9 =	smul.u32 $0xA000, s7;
	s12 =	sshrl.u32 s10, $0x2  }
0x23: {  	s31 =	sshrl.u32 s26, $0x2;
	s29 =	simm.s32 $0x18A80;
	[dreg:$0xe] =	wrdreg s5  }
0x24: {  	s6 =	simm.s32 $0x3;
	s7 =	simm.s32 $0x2;
	[dreg:$0xf] =	wrdreg s4  }
0x25: {  	s21 =	sadd.s32 s12, s17;
	s5 =	sshrl.u32 s13, $0x2;
	s26 =	sadd.s32 s31, s17  }
0x26: {  	_ =	strace $0x80000047;
	s4 =	sshrl.u32 s8, $0x2;
	s3 =	sshrl.u32 s9, $0x2  }
0x27: {  	s23 =	sadd.s32 s5, s17;
	s5 =	simm.s32 $0x1;
	s8 =	simm.s32 $0x0  }
0x28: {  	s19 =	sadd.s32 s4, s17;
	s20 =	sadd.s32 s3, s17;
	s4 =	sshrl.u32 s15, $0x2  }
0x29: {  	s3 =	sshrl.u32 s25, $0x2;
	s15 =	simm.s32 $0x13980;
	s24 =	sadd.s32 s4, s17  }
0x2a: {  	v0 =	vimm.f32 $0.0e+00;
	s25 =	sadd.s32 s3, s17;
	s3 =	simm.s32 $0x13A80;
	s4 =	simm.s32 $0x13900  }
.LBB2_1:
0x2b: {  	s9 =	simm.s32 $0x0;
	s10 =	simm.s32 $0x200  }
.LBB2_2:
0x2c: {  	p3 =	sne.s32 s10, $0x9E00;
	[tilespmem:s9+$0x18AF0] =	vst v0  }
0x2d: {  	[tilespmem:s9+$0x18A80] =	vst v0  }
0x2e: {  	[tilespmem:s9+$0x18A90] =	vst v0  }
.Ltmp0:
0x2f: {  	[tilespmem:s9+$0x18AA0] =	vst v0;
	(pc) =	sbr.rel @p3 .LBB2_2-.Ltmp0, $4  }
0x30: {  	[tilespmem:s9+$0x18AB0] =	vst v0  }
0x31: {  	[tilespmem:s9+$0x18AC0] =	vst v0  }
0x32: {  	[tilespmem:s9+$0x18AD0] =	vst v0  }
0x33: {  	[tilespmem:s9+$0x18AE0] =	vst v0;
	s9 =	sshra.s32 s10, $0x2;
	s10 =	sadd.s32 $0x200, s10  }
0x34: {  	[tilespmem:s9+$0x18AF0] =	vst v0  }
0x35: {  	[tilespmem:s9+$0x18A80] =	vst v0  }
0x36: {  	[tilespmem:s9+$0x18A90] =	vst v0  }
0x37: {  	[tilespmem:s9+$0x18AA0] =	vst v0  }
0x38: {  	[tilespmem:s9+$0x18AB0] =	vst v0  }
0x39: {  	[tilespmem:s9+$0x18AC0] =	vst v0  }
0x3a: {  	[tilespmem:s9+$0x18AD0] =	vst v0  }
0x3b: {  	[tilespmem:s9+$0x18AE0] =	vst v0  }
0x3c: {  	[spmem:s19] =	stream.linear.scatter [tilespmem:s29], [sflag:$0x4], $0x2800, $0x38;
	[tilespmem:$0x1B280] =	vst v63  }
0x3d: {  	_ =	swait.ge [sflag:s30], $0x2800  }
0x3e: {  	[sflag:s30] =	ssyncset.done $0x0  }
0x3f: {  	[sflag:s30] =	ssyncadd.s32 $0xFFFFD800  }
0x40: {  	[spmem:s20] =	stream.linear.scatter [tilespmem:s29], [sflag:$0x4], $0x2800, $0x38;
	[tilespmem:$0x1B280] =	vst v63  }
0x41: {  	_ =	swait.ge [sflag:s30], $0x2800  }
0x42: {  	[sflag:s30] =	ssyncset.done $0x0  }
0x43: {  	[sflag:s30] =	ssyncadd.s32 $0xFFFFD800  }
0x44: {  	[spmem:s21] =	stream.linear.scatter [tilespmem:s29], [sflag:$0x4], $0x2800, $0x38;
	[tilespmem:$0x1B280] =	vst v63  }
0x45: {  	_ =	swait.ge [sflag:s30], $0x2800  }
0x46: {  	[sflag:s30] =	ssyncset.done $0x0  }
0x47: {  	[sflag:s30] =	ssyncadd.s32 $0xFFFFD800  }
0x48: {  	[spmem:s22] =	stream.linear.scatter [tilespmem:s29], [sflag:$0x4], $0x2800, $0x38;
	[tilespmem:$0x1B280] =	vst v63  }
0x49: {  	_ =	swait.ge [sflag:s30], $0x2800  }
0x4a: {  	[sflag:s30] =	ssyncset.done $0x0  }
0x4b: {  	[sflag:s30] =	ssyncadd.s32 $0xFFFFD800  }
0x4c: {  	[spmem:s23] =	stream.linear.scatter [tilespmem:s29], [sflag:$0x4], $0x2800, $0x38;
	[tilespmem:$0x1B280] =	vst v63  }
0x4d: {  	_ =	swait.ge [sflag:s30], $0x2800  }
0x4e: {  	[sflag:s30] =	ssyncset.done $0x0  }
0x4f: {  	s9 =	simm.s32 @!p2 $0x18A80;
	[sflag:s30] =	ssyncadd.s32 $0xFFFFD800  }
0x50: {  	[spmem:s24] =	stream.linear.scatter @!p2 [tilespmem:s9], [sflag:$0x4], $0x2800, $0x38;
	[tilespmem:$0x1B280] =	vst v63  }
0x51: {  	s9 =	simm.s32 @!p2 $0x4  }
0x52: {  	_ =	swait.ge @!p2 [sflag:s9], $0x2800  }
0x53: {  	[sflag:s9] =	ssyncset.done @!p2 $0x0  }
0x54: {  	[sflag:s9] =	ssyncadd.s32 @!p2 $0xFFFFD800;
	s9 =	simm.s32 @!p0 $0x18A80  }
0x55: {  	[spmem:s25] =	stream.linear.scatter @!p0 [tilespmem:s9], [sflag:$0x4], $0x2800, $0x38;
	[tilespmem:$0x1B280] =	vst v63  }
0x56: {  	s9 =	simm.s32 @!p0 $0x4  }
0x57: {  	_ =	swait.ge @!p0 [sflag:s9], $0x2800  }
0x58: {  	[sflag:s9] =	ssyncset.done @!p0 $0x0  }
0x59: {  	[sflag:s9] =	ssyncadd.s32 @!p0 $0xFFFFD800;
	s9 =	simm.s32 @!p1 $0x18A80  }
0x5a: {  	[spmem:s26] =	stream.linear.scatter @!p1 [tilespmem:s9], [sflag:$0x4], $0x2800, $0x38;
	[tilespmem:$0x1B280] =	vst v63  }
0x5b: {  	s9 =	simm.s32 @!p1 $0x4  }
0x5c: {  	_ =	swait.ge @!p1 [sflag:s9], $0x2800  }
0x5d: {  	[sflag:s9] =	ssyncset.done @!p1 $0x0  }
0x5e: {  	[sflag:s9] =	ssyncadd.s32 @!p1 $0xFFFFD800  }
0x5f: {  	[bflag:$0x0] =	sbarrier.arrive $0xFFFF  }
0x60: {  	s10 =	simm.s32 $0x13880;
	s14 =	rddreg [dreg:$0x4]  }
0x61: {  	[tilespmem:s10], [sflag:$0x4] =	stream.linear.gather [hbm4b:s14+s2], $0x50, $0x38;
	[tilespmem:$0x1B280] =	vst v63  }
0x62: {  	_ =	swait.ge [sflag:s30], $0x50  }
0x63: {  	[sflag:s30] =	ssyncset.done $0x0  }
0x64: {  	s31 =	rddreg [dreg:$0x5];
	[sflag:s30] =	ssyncadd.s32 $0xFFFFFFB0  }
0x65: {  	[tilespmem:s15], [sflag:$0x4] =	stream.linear.gather [hbm4b:s31+s2], $0x50, $0x38;
	[tilespmem:$0x1B280] =	vst v63  }
0x66: {  	_ =	swait.ge [sflag:s30], $0x50  }
0x67: {  	[sflag:s30] =	ssyncset.done $0x0  }
0x68: {  	[sflag:s30] =	ssyncadd.s32 $0xFFFFFFB0  }
0x69: {  	[tilespmem:s3], [sflag:$0x1] =	stream.indirect.gather [hbm4b:s1+s0], $0x80, s10, s0, $0xb8;
	[tilespmem:$0x1B280] =	vst v63  }
0x6a: {  	s11 =	rddreg [dreg:$0xe]  }
0x6b: {  	[tilespmem:s4], [sflag:$0x2] =	stream.linear.gather [hbm4b:s11+s2], $0x50, $0x38;
	[tilespmem:$0x1B280] =	vst v63  }
0x6c: {  	s13 =	simm.s32 $0x13A00;
	s12 =	rddreg [dreg:$0xf]  }
0x6d: {  	[tilespmem:s13], [sflag:$0x2] =	stream.linear.gather [hbm4b:s12+s2], $0x50, $0x38;
	[tilespmem:$0x1B280] =	vst v63  }
0x6e: {  	_ =	swait.ge [sflag:s5], $0x2800  }
0x6f: {  	[sflag:s5] =	ssyncset.done $0x0  }
0x70: {  	s14 =	simm.s32 $0x2;
	[sflag:s5] =	ssyncadd.s32 $0xFFFFD800  }
0x71: {  	[spmem:s17] =	stream.indirect.scatter.add.f32 [tilespmem:s3], [sflag:$0x3], $0x80, s15, s0, $0xb8;
	[tilespmem:$0x1B280] =	vst v63  }
0x72: {  	_ =	swait.ge [sflag:s14], $0x50  }
0x73: {  	[sflag:s14] =	ssyncset.done $0x0  }
0x74: {  	[sflag:s14] =	ssyncadd.s32 $0xFFFFFFB0  }
0x75: {  	_ =	swait.ge [sflag:s14], $0x50  }
0x76: {  	[sflag:s14] =	ssyncset.done $0x0  }
0x77: {  	[sflag:s14] =	ssyncadd.s32 $0xFFFFFFB0  }
0x78: {  	_ =	swait.ge [sflag:s6], $0x2800  }
0x79: {  	[sflag:s6] =	ssyncset.done $0x0  }
0x7a: {  	s31 =	simm.s32 $0x16280;
	[sflag:s6] =	ssyncadd.s32 $0xFFFFD800  }
0x7b: {  	[tilespmem:s31], [sflag:$0x1] =	stream.indirect.gather [hbm4b:s1+s0], $0x80, s4, s0, $0xb8;
	[tilespmem:$0x1B280] =	vst v63  }
0x7c: {  	s11 =	simm.s32 $0x13880  }
0x7d: {  	[tilespmem:s11], [sflag:$0x2] =	stream.linear.gather [hbm4b:s18+s2], $0x50, $0x38;
	[tilespmem:$0x1B280] =	vst v63  }
0x7e: {  	s12 =	simm.s32 $0x13980  }
0x7f: {  	[tilespmem:s12], [sflag:$0x2] =	stream.linear.gather [hbm4b:s16+s2], $0x50, $0x38;
	[tilespmem:$0x1B280] =	vst v63  }
0x80: {  	_ =	swait.ge [sflag:s5], $0x2800  }
0x81: {  	[sflag:s5] =	ssyncset.done $0x0  }
0x82: {  	s13 =	simm.s32 $0x13A00;
	[sflag:s5] =	ssyncadd.s32 $0xFFFFD800  }
0x83: {  	[spmem:s17] =	stream.indirect.scatter.add.f32 [tilespmem:s31], [sflag:$0x3], $0x80, s13, s0, $0xb8;
	[tilespmem:$0x1B280] =	vst v63  }
0x84: {  	_ =	swait.ge [sflag:s7], $0x50  }
0x85: {  	[sflag:s7] =	ssyncset.done $0x0  }
0x86: {  	[sflag:s7] =	ssyncadd.s32 $0xFFFFFFB0  }
0x87: {  	_ =	swait.ge [sflag:s7], $0x50  }
0x88: {  	s14 =	sand.u32 $0x1, s14;
	[sflag:s7] =	ssyncset.done $0x0  }
0x89: {  	s9 =	simm.s32 $0x3;
	s31 =	smul.u32 $0xA000, s14;
	[sflag:s7] =	ssyncadd.s32 $0xFFFFFFB0  }
0x8a: {  	s10 =	sadd.s32 $0xA, s18;
	s11 =	sadd.s32 $0xA, s16;
	_ =	swait.ge [sflag:s6], $0x2800  }
0x8b: {  	s12 =	sshll.u32 s14, $0x7;
	s13 =	sshrl.u32 s31, $0x2;
	[sflag:s6] =	ssyncset.done $0x0  }
0x8c: {  	s14 =	sadd.s32 $0x13880, s12;
	s13 =	sadd.s32 $0x13A80, s13;
	[sflag:s6] =	ssyncadd.s32 $0xFFFFD800  }
.LBB2_4:
0x8d: {  	[tilespmem:s13], [sflag:$0x1] =	stream.indirect.gather [hbm4b:s1+s0], $0x80, s14, s0, $0xb8;
	[tilespmem:$0x1B280] =	vst v63  }
0x8e: {  	s14 =	smov.u32 s9  }
0x8f: {  	s31 =	ssub.s32 $0x13900, s12;
	p3 =	sne.s32 s9, $0x7C;
	s9 =	sadd.s32 $0x1, s9  }
0x90: {  	[tilespmem:s31], [sflag:$0x2] =	stream.linear.gather [hbm4b:s10+s2], $0x50, $0x38;
	[tilespmem:$0x1B280] =	vst v63  }
0x91: {  	s31 =	ssub.s32 $0x13A00, s12  }
0x92: {  	[tilespmem:s31], [sflag:$0x2] =	stream.linear.gather [hbm4b:s11+s2], $0x50, $0x38;
	[tilespmem:$0x1B280] =	vst v63  }
0x93: {  	_ =	swait.ge [sflag:s5], $0x2800  }
0x94: {  	[sflag:s5] =	ssyncset.done $0x0  }
0x95: {  	s12 =	sadd.s32 $0x13980, s12;
	[sflag:s5] =	ssyncadd.s32 $0xFFFFD800  }
0x96: {  	[spmem:s17] =	stream.indirect.scatter.add.f32 [tilespmem:s13], [sflag:$0x3], $0x80, s12, s0, $0xb8;
	[tilespmem:$0x1B280] =	vst v63  }
0x97: {  	_ =	swait.ge [sflag:s7], $0x50  }
0x98: {  	[sflag:s7] =	ssyncset.done $0x0  }
0x99: {  	[sflag:s7] =	ssyncadd.s32 $0xFFFFFFB0  }
0x9a: {  	_ =	swait.ge [sflag:s7], $0x50  }
.Ltmp1:
0x9b: {  	s12 =	sand.u32 $0x1, s14;
	[sflag:s7] =	ssyncset.done $0x0;
	(pc) =	sbr.rel @p3 .LBB2_4-.Ltmp1, $4  }
0x9c: {  	s13 =	smul.u32 $0xA000, s12;
	s12 =	sshll.u32 s12, $0x7;
	[sflag:s7] =	ssyncadd.s32 $0xFFFFFFB0  }
0x9d: {  	s10 =	sadd.s32 $0xA, s10;
	_ =	swait.ge [sflag:s6], $0x2800  }
0x9e: {  	s11 =	sadd.s32 $0xA, s11;
	s13 =	sshrl.u32 s13, $0x2;
	[sflag:s6] =	ssyncset.done $0x0  }
0x9f: {  	s14 =	sadd.s32 $0x13880, s12;
	s13 =	sadd.s32 $0x13A80, s13;
	[sflag:s6] =	ssyncadd.s32 $0xFFFFD800  }
0xa0: {  	[tilespmem:s13], [sflag:$0x1] =	stream.indirect.gather [hbm4b:s1+s0], $0x80, s14, s0, $0xb8;
	[tilespmem:$0x1B280] =	vst v63  }
0xa1: {  	_ =	swait.ge [sflag:s5], $0x2800  }
0xa2: {  	[sflag:s5] =	ssyncset.done $0x0  }
0xa3: {  	s9 =	sadd.s32 $0x13980, s12;
	[sflag:s5] =	ssyncadd.s32 $0xFFFFD800  }
0xa4: {  	[spmem:s17] =	stream.indirect.scatter.add.f32 [tilespmem:s13], [sflag:$0x3], $0x80, s9, s0, $0xb8;
	[tilespmem:$0x1B280] =	vst v63  }
0xa5: {  	_ =	swait.ge [sflag:s6], $0x2800  }
0xa6: {  	[sflag:s6] =	ssyncset.done $0x0  }
0xa7: {  	[sflag:s6] =	ssyncadd.s32 $0xFFFFD800  }
0xa8: {  	[bflag:$0x0] =	sbarrier.arrive $0xFFFF  }
0xa9: {  	[tilespmem:s29], [sflag:$0x4] =	stream.linear.gather [spmem:s19], $0x2800, $0x38;
	[tilespmem:$0x1B280] =	vst v63  }
0xaa: {  	_ =	swait.ge [sflag:s30], $0x2800  }
0xab: {  	[sflag:s30] =	ssyncset.done $0x0  }
0xac: {  	s11 =	rddreg [dreg:$0x6];
	[sflag:s30] =	ssyncadd.s32 $0xFFFFD800  }
0xad: {  	[hbm4b:s11+s2] =	stream.linear.scatter [tilespmem:s29], [sflag:$0x4], $0x2800, $0x38;
	[tilespmem:$0x1B280] =	vst v63  }
0xae: {  	_ =	swait.ge [sflag:s30], $0x2800  }
0xaf: {  	[sflag:s30] =	ssyncset.done $0x0  }
0xb0: {  	[sflag:s30] =	ssyncadd.s32 $0xFFFFD800  }
0xb1: {  	[tilespmem:s29], [sflag:$0x4] =	stream.linear.gather [spmem:s20], $0x2800, $0x38;
	[tilespmem:$0x1B280] =	vst v63  }
0xb2: {  	_ =	swait.ge [sflag:s30], $0x2800  }
0xb3: {  	[sflag:s30] =	ssyncset.done $0x0  }
0xb4: {  	s12 =	rddreg [dreg:$0x7];
	[sflag:s30] =	ssyncadd.s32 $0xFFFFD800  }
0xb5: {  	[hbm4b:s12+s2] =	stream.linear.scatter [tilespmem:s29], [sflag:$0x4], $0x2800, $0x38;
	[tilespmem:$0x1B280] =	vst v63  }
0xb6: {  	_ =	swait.ge [sflag:s30], $0x2800  }
0xb7: {  	[sflag:s30] =	ssyncset.done $0x0  }
0xb8: {  	[sflag:s30] =	ssyncadd.s32 $0xFFFFD800  }
0xb9: {  	[tilespmem:s29], [sflag:$0x4] =	stream.linear.gather [spmem:s21], $0x2800, $0x38;
	[tilespmem:$0x1B280] =	vst v63  }
0xba: {  	_ =	swait.ge [sflag:s30], $0x2800  }
0xbb: {  	[sflag:s30] =	ssyncset.done $0x0  }
0xbc: {  	s13 =	rddreg [dreg:$0x8];
	[sflag:s30] =	ssyncadd.s32 $0xFFFFD800  }
0xbd: {  	[hbm4b:s13+s2] =	stream.linear.scatter [tilespmem:s29], [sflag:$0x4], $0x2800, $0x38;
	[tilespmem:$0x1B280] =	vst v63  }
0xbe: {  	_ =	swait.ge [sflag:s30], $0x2800  }
0xbf: {  	[sflag:s30] =	ssyncset.done $0x0  }
0xc0: {  	[sflag:s30] =	ssyncadd.s32 $0xFFFFD800  }
0xc1: {  	[tilespmem:s29], [sflag:$0x4] =	stream.linear.gather [spmem:s22], $0x2800, $0x38;
	[tilespmem:$0x1B280] =	vst v63  }
0xc2: {  	_ =	swait.ge [sflag:s30], $0x2800  }
0xc3: {  	[sflag:s30] =	ssyncset.done $0x0  }
0xc4: {  	s14 =	rddreg [dreg:$0x9];
	[sflag:s30] =	ssyncadd.s32 $0xFFFFD800  }
0xc5: {  	[hbm4b:s14+s2] =	stream.linear.scatter [tilespmem:s29], [sflag:$0x4], $0x2800, $0x38;
	[tilespmem:$0x1B280] =	vst v63  }
0xc6: {  	_ =	swait.ge [sflag:s30], $0x2800  }
0xc7: {  	[sflag:s30] =	ssyncset.done $0x0  }
0xc8: {  	[sflag:s30] =	ssyncadd.s32 $0xFFFFD800  }
0xc9: {  	[tilespmem:s29], [sflag:$0x4] =	stream.linear.gather [spmem:s23], $0x2800, $0x38;
	[tilespmem:$0x1B280] =	vst v63  }
0xca: {  	_ =	swait.ge [sflag:s30], $0x2800  }
0xcb: {  	[sflag:s30] =	ssyncset.done $0x0  }
0xcc: {  	s31 =	rddreg [dreg:$0xa];
	[sflag:s30] =	ssyncadd.s32 $0xFFFFD800  }
0xcd: {  	[hbm4b:s31+s2] =	stream.linear.scatter [tilespmem:s29], [sflag:$0x4], $0x2800, $0x38;
	[tilespmem:$0x1B280] =	vst v63  }
0xce: {  	_ =	swait.ge [sflag:s30], $0x2800  }
0xcf: {  	[sflag:s30] =	ssyncset.done $0x0  }
0xd0: {  	s10 =	simm.s32 @!p2 $0x4;
	s9 =	simm.s32 @!p2 $0x18A80;
	[sflag:s30] =	ssyncadd.s32 $0xFFFFD800  }
0xd1: {  	[tilespmem:s9], [sflag:$0x4] =	stream.linear.gather @!p2 [spmem:s24], $0x2800, $0x38;
	[tilespmem:$0x1B280] =	vst v63  }
0xd2: {  	_ =	swait.ge @!p2 [sflag:s10], $0x2800  }
0xd3: {  	[sflag:s10] =	ssyncset.done @!p2 $0x0  }
0xd4: {  	s11 =	simm.s32 @!p2 $0x0;
	s12 =	rddreg [dreg:$0xb];
	[sflag:s10] =	ssyncadd.s32 @!p2 $0xFFFFD800  }
0xd5: {  	[hbm4b:s12+s11] =	stream.linear.scatter @!p2 [tilespmem:s9], [sflag:$0x4], $0x2800, $0x38;
	[tilespmem:$0x1B280] =	vst v63  }
0xd6: {  	_ =	swait.ge @!p2 [sflag:s10], $0x2800  }
0xd7: {  	[sflag:s10] =	ssyncset.done @!p2 $0x0  }
0xd8: {  	s9 =	simm.s32 @!p0 $0x18A80;
	[sflag:s10] =	ssyncadd.s32 @!p2 $0xFFFFD800;
	s10 =	simm.s32 @!p0 $0x4  }
0xd9: {  	[tilespmem:s9], [sflag:$0x4] =	stream.linear.gather @!p0 [spmem:s25], $0x2800, $0x38;
	[tilespmem:$0x1B280] =	vst v63  }
0xda: {  	_ =	swait.ge @!p0 [sflag:s10], $0x2800  }
0xdb: {  	[sflag:s10] =	ssyncset.done @!p0 $0x0  }
0xdc: {  	s11 =	simm.s32 @!p0 $0x0;
	s12 =	rddreg [dreg:$0xc];
	[sflag:s10] =	ssyncadd.s32 @!p0 $0xFFFFD800  }
0xdd: {  	[hbm4b:s12+s11] =	stream.linear.scatter @!p0 [tilespmem:s9], [sflag:$0x4], $0x2800, $0x38;
	[tilespmem:$0x1B280] =	vst v63  }
0xde: {  	_ =	swait.ge @!p0 [sflag:s10], $0x2800  }
0xdf: {  	[sflag:s10] =	ssyncset.done @!p0 $0x0  }
0xe0: {  	s9 =	simm.s32 @!p1 $0x18A80;
	[sflag:s10] =	ssyncadd.s32 @!p0 $0xFFFFD800;
	s10 =	simm.s32 @!p1 $0x4  }
0xe1: {  	[tilespmem:s9], [sflag:$0x4] =	stream.linear.gather @!p1 [spmem:s26], $0x2800, $0x38;
	[tilespmem:$0x1B280] =	vst v63  }
0xe2: {  	s8 =	sadd.s32 $0x1, s8;
	_ =	swait.ge @!p1 [sflag:s10], $0x2800  }
0xe3: {  	p3 =	sne.s32 s8, s28;
	s11 =	simm.s32 @!p1 $0x0;
	[sflag:s10] =	ssyncset.done @!p1 $0x0  }
.Ltmp2:
0xe4: {  	s12 =	rddreg [dreg:$0xd];
	[sflag:s10] =	ssyncadd.s32 @!p1 $0xFFFFD800;
	(pc) =	sbr.rel @p3 .LBB2_1-.Ltmp2, $4  }
0xe5: {  	[hbm4b:s12+s11] =	stream.linear.scatter @!p1 [tilespmem:s9], [sflag:$0x4], $0x2800, $0x38;
	[tilespmem:$0x1B280] =	vst v63  }
0xe6: {  	_ =	swait.ge @!p1 [sflag:s10], $0x2800  }
0xe7: {  	[sflag:s10] =	ssyncset.done @!p1 $0x0  }
0xe8: {  	[sflag:s10] =	ssyncadd.s32 @!p1 $0xFFFFD800  }
0xe9: {  	_ =	sfence.sel $0x180000  }
0xea: {  	[bflag:$0x0] =	sbarrier.arrive $0xFFFF  }
0xeb: {  	_ =	strace $0x90000047  }
0xec: {  	s0 =	stileid.u32;
	[bflag:$0x2] =	sbarrier.arrive $0xFFFF  }
0xed: {  	p0 =	sne.s32 s0, $0x0;
	s0 =	rddreg [dreg:$0x3]  }
0xee: {  	s0 =	sadd.s32 @!p0 $0x100000, s0  }
0xef: {  	[sflag:s0] =	ssyncadd.tile.s32 @!p0 $0x1;
	_ =	shalt  }
.Lfunc_end2:
_tile_overlayer_lowered:
.L_overlay_start_2:
0xf0: {  	(tag) =	ssettag $0x2  }
0xf1: {  	s0 =	rddreg [dreg:$0x0];
	s2 =	stileid.u32  }
0xf2: {  	s1 =	rddreg [dreg:$0x1];
	p0 =	sne.s32 s2, $0x0  }
0xf3: {  	s3 =	rddreg [dreg:$0x2];
	[bflag:$0x3] =	sbarrier.arrive $0xFFFF;
	s2 =	simm.s32 @!p0 $0x1C04  }
0xf4: {  	[timem:s3], [sflag:s2] =	dma.local @!p0 [hbm:s0], s1  }
0xf5: {  	s0 =	simm.s32 @!p0 $0x4  }
0xf6: {  	_ =	swait.ge @!p0 [sflag:s0], s1  }
0xf7: {  	s1 =	ssub.s32 @!p0 $0x0, s1;
	[sflag:s0] =	ssyncset.done @!p0 $0x0  }
0xf8: {  	[sflag:s0] =	ssyncadd.s32 @!p0 s1  }
0xf9: {  	[bflag:$0x3] =	sbarrier.arrive $0xFFFF  }
0xfa: {  	_ =	shalt  }

</sc_bundles>
